<compile_context>
chip_gen: v7x
topology: tpu7x:2x2x1
jax: 0.10.2.dev20260603
libtpu: 0.0.44.dev20260713+nightly
codegen_flags: <defaults>
</compile_context>

<pallas_src>
import functools

import jax
import jax.numpy as jnp
from jax import lax
from jax.experimental import pallas as pl
from jax.experimental.pallas import tpu as pltpu
from jax.experimental.pallas import tpu_sc as plsc

NUM_ATOMS = 100000
NUM_ELEMENTS = 119
NUM_PROPS = 4

NC = 2
NS = 16
NW = NC * NS
LANES = 16

BLK = 128
NBLKS = (NUM_ATOMS + BLK - 1) // BLK
ATOMS_PAD = NBLKS * BLK
BLK_WORDS = BLK * NUM_PROPS

BPT = 25
CHUNK = BPT * BLK
LAST = NUM_ATOMS - (NW - 1) * CHUNK
LAST_BLKS = NBLKS - (NW - 1) * BPT


def _gather_groups(lo, hi, idx_v, table_v, rows_v):

    @plsc.parallel_loop(lo, hi, unroll=8)
    def group(g):
        z = idx_v[pl.ds(g * LANES, LANES)]
        off = (g >> 3) * BLK_WORDS + (g & 7) * LANES
        for p in range(NUM_PROPS):
            vals = plsc.load_gather(table_v.at[pl.ds(p * BLK, BLK)], [z])
            rows_v[pl.ds(off + p * BLK, LANES)] = vals


def _tile_body(count, wid, idx_hbm, table_hbm, out_hbm, table_v, idx_v,
               rows_v, sem_t, sem_i, sem_a, sem_b):
    base = wid * CHUNK
    d_i = pltpu.async_copy(
        idx_hbm.at[pl.ds(base, count)], idx_v.at[pl.ds(0, count)], sem_i
    )
    d_t = pltpu.async_copy(table_hbm, table_v, sem_t)
    d_t.wait()
    d_i.wait()

    ngroups = count // LANES
    out_base = wid * BPT * BLK_WORDS
    if count == CHUNK:
        half_g = (ngroups // 2) // 8 * 8
        half_w = (half_g // 8) * BLK_WORDS
        nwords = (ngroups // 8) * BLK_WORDS
        _gather_groups(0, half_g, idx_v, table_v, rows_v)
        d1 = pltpu.async_copy(
            rows_v.at[pl.ds(0, half_w)],
            out_hbm.at[pl.ds(out_base, half_w)],
            sem_a,
        )
        _gather_groups(half_g, ngroups, idx_v, table_v, rows_v)
        d2 = pltpu.async_copy(
            rows_v.at[pl.ds(half_w, nwords - half_w)],
            out_hbm.at[pl.ds(out_base + half_w, nwords - half_w)],
            sem_b,
        )
        d1.wait()
        d2.wait()
    else:
        nwords = ((count * NUM_PROPS + BLK_WORDS - 1) // BLK_WORDS) * BLK_WORDS
        _gather_groups(0, ngroups, idx_v, table_v, rows_v)
        pltpu.async_copy(
            rows_v.at[pl.ds(0, nwords)],
            out_hbm.at[pl.ds(out_base, nwords)],
            sem_a,
        ).wait()


@functools.partial(
    pl.kernel,
    mesh=plsc.VectorSubcoreMesh(core_axis_name="c", subcore_axis_name="s"),
    out_type=jax.ShapeDtypeStruct((NBLKS * BLK_WORDS,), jnp.float32),
    scratch_types=[
        pltpu.VMEM((NUM_PROPS * BLK,), jnp.float32),
        pltpu.VMEM((CHUNK,), jnp.int32),
        pltpu.VMEM((BPT * BLK_WORDS,), jnp.float32),
        pltpu.SemaphoreType.DMA,
        pltpu.SemaphoreType.DMA,
        pltpu.SemaphoreType.DMA,
        pltpu.SemaphoreType.DMA,
    ],
    compiler_params=pltpu.CompilerParams(needs_layout_passes=False),
)
def _sc_lookup(idx_hbm, table_hbm, out_hbm, table_v, idx_v, rows_v,
               sem_t, sem_i, sem_a, sem_b):
    wid = lax.axis_index("s") * NC + lax.axis_index("c")

    @pl.when(wid < NW - 1)
    def _():
        _tile_body(CHUNK, wid, idx_hbm, table_hbm, out_hbm, table_v, idx_v,
                   rows_v, sem_t, sem_i, sem_a, sem_b)

    @pl.when(wid == NW - 1)
    def _():
        _tile_body(LAST, wid, idx_hbm, table_hbm, out_hbm, table_v, idx_v,
                   rows_v, sem_t, sem_i, sem_a, sem_b)


def kernel(atomic_numbers, element_table):
    idx = atomic_numbers.astype(jnp.int32)
    table_pm = jnp.pad(
        element_table.T, ((0, 0), (0, BLK - NUM_ELEMENTS))
    ).reshape(-1)
    out = _sc_lookup(idx, table_pm)
    out = out.reshape(NBLKS, NUM_PROPS, BLK)
    out = jnp.swapaxes(out, 1, 2).reshape(ATOMS_PAD, NUM_PROPS)
    return out[:NUM_ATOMS]

# --- scband reference (transcript-rebuilt; emitter-appended) ---
"""Pipeline reference for scband-atom-featurizer-47974784696343 (READ-ONLY COPY).

The authoritative reference and input builder live on the scoring server;
editing this copy changes nothing except your own understanding.
"""

import jax, jax.numpy as jnp
import numpy as np

NUM_ATOMS = 100000
NUM_ELEMENTS = 119  # atomic numbers 0..118
NUM_PROPS = 4       # radius, electronegativity, ionization_energy, electron_affinity


def setup_inputs(seed: int = 0) -> dict:
    key = jax.random.key(seed)
    k1, k2 = jax.random.split(key)
    atomic_numbers = jax.random.randint(k1, (NUM_ATOMS,), 0, NUM_ELEMENTS, dtype=jnp.int64 if jax.config.jax_enable_x64 else jnp.int32)
    # element_data table: row z holds [radius, electronegativity, ionization_energy, electron_affinity]
    element_table = jax.random.uniform(k2, (NUM_ELEMENTS, NUM_PROPS), dtype=jnp.float32)
    return {"atomic_numbers": atomic_numbers, "element_table": element_table}


def reference(atomic_numbers, element_table):
    # Faithful vectorized form of the per-atom python loop:
    # for each atom, look up its 4 elemental properties -> [num_atoms, 4]
    features = jnp.take(element_table, atomic_numbers, axis=0)
    return features

if __name__ == "__main__":
    import jax
    _d = setup_inputs()
    print(jax.jit(kernel)(*tuple(_d.values())))

</pallas_src>

<mosaic_0001>
#map = affine_map<(d0, d1) -> (0)>
module attributes {stable_mosaic.version = 14 : i64} {
  func.func @_sc_lookup(%arg0: i32, %arg1: i32, %arg2: memref<100000xi32, #tpu.memory_space<hbm>>, %arg3: memref<512xf32, #tpu.memory_space<hbm>>, %arg4: memref<400384xf32, #tpu.memory_space<hbm>>, %arg5: memref<512xf32, #tpu.memory_space<vmem>>, %arg6: memref<3200xi32, #tpu.memory_space<vmem>>, %arg7: memref<12800xf32, #tpu.memory_space<vmem>>, %arg8: memref<!tpu.dma_semaphore, #tpu.memory_space<semaphore_mem>>, %arg9: memref<!tpu.dma_semaphore, #tpu.memory_space<semaphore_mem>>, %arg10: memref<!tpu.dma_semaphore, #tpu.memory_space<semaphore_mem>>, %arg11: memref<!tpu.dma_semaphore, #tpu.memory_space<semaphore_mem>>) attributes {dimension_semantics = [#tpu.dimension_semantics<core_parallel>, #tpu.dimension_semantics<subcore_parallel>], iteration_bounds = array<i64: 2, 16>, scalar_prefetch = 0 : i64, scratch_operands = 7 : i64, tpu.core_type = #tpu.core_type<sc_vector_subcore>, window_params = [{transform_indices = #map}, {transform_indices = #map}, {transform_indices = #map}]} {
    %mul3A = arith.constant 2 : i32
    %mul3A_0 = arith.muli %arg1, %mul3A : i32
    %add3A = arith.addi %mul3A_0, %arg0 : i32
    %lt3A = arith.constant 31 : i32
    %lt3A_1 = arith.cmpi slt, %add3A, %lt3A : i32
    %convert_element_type3A = arith.extui %lt3A_1 : i1 to i32
    %cond3A = arith.constant 0 : i32
    %cond3A_2 = arith.cmpi ne, %convert_element_type3A, %cond3A : i32
    scf.if %cond3A_2 {
      %mul3A_7 = arith.constant 3200 : i32
      %mul3A_8 = arith.muli %add3A, %mul3A_7 : i32
      %dma_start3A = arith.constant 0 : i32
      %dma_start3A_9 = tpu.memref_slice %arg6[%dma_start3A] : memref<3200xi32, #tpu.memory_space<vmem>> -> memref<3200xi32, #tpu.memory_space<vmem>>
      %dma_start3A_10 = tpu.memref_slice %arg2[%mul3A_8] : memref<100000xi32, #tpu.memory_space<hbm>> -> memref<3200xi32, #tpu.memory_space<hbm>>
      %dma_start3A_11 = arith.constant 0 : i32
      %dma_start3A_12 = tpu.memref_slice %arg6[%dma_start3A_11] : memref<3200xi32, #tpu.memory_space<vmem>> -> memref<3200xi32, #tpu.memory_space<vmem>>
      %dma_start3A_13 = tpu.memref_slice %arg2[%mul3A_8] : memref<100000xi32, #tpu.memory_space<hbm>> -> memref<3200xi32, #tpu.memory_space<hbm>>
      tpu.enqueue_dma source(%dma_start3A_13 : memref<3200xi32, #tpu.memory_space<hbm>>) target(%dma_start3A_12 : memref<3200xi32, #tpu.memory_space<vmem>>) target_semaphore(%arg9 : memref<!tpu.dma_semaphore, #tpu.memory_space<semaphore_mem>>)
      tpu.enqueue_dma source(%arg3 : memref<512xf32, #tpu.memory_space<hbm>>) target(%arg5 : memref<512xf32, #tpu.memory_space<vmem>>) target_semaphore(%arg8 : memref<!tpu.dma_semaphore, #tpu.memory_space<semaphore_mem>>)
      tpu.wait_dma2 semaphore(%arg8 : memref<!tpu.dma_semaphore, #tpu.memory_space<semaphore_mem>>) src(%arg3 : memref<512xf32, #tpu.memory_space<hbm>>) dst(%arg5 : memref<512xf32, #tpu.memory_space<vmem>>)
      %dma_wait3A = arith.constant 0 : i32
      %dma_wait3A_14 = tpu.memref_slice %arg6[%dma_wait3A] : memref<3200xi32, #tpu.memory_space<vmem>> -> memref<3200xi32, #tpu.memory_space<vmem>>
      %dma_wait3A_15 = tpu.memref_slice %arg2[%mul3A_8] : memref<100000xi32, #tpu.memory_space<hbm>> -> memref<3200xi32, #tpu.memory_space<hbm>>
      %dma_wait3A_16 = arith.constant 0 : i32
      %dma_wait3A_17 = tpu.memref_slice %arg6[%dma_wait3A_16] : memref<3200xi32, #tpu.memory_space<vmem>> -> memref<3200xi32, #tpu.memory_space<vmem>>
      %dma_wait3A_18 = tpu.memref_slice %arg2[%mul3A_8] : memref<100000xi32, #tpu.memory_space<hbm>> -> memref<3200xi32, #tpu.memory_space<hbm>>
      tpu.wait_dma2 semaphore(%arg9 : memref<!tpu.dma_semaphore, #tpu.memory_space<semaphore_mem>>) src(%dma_wait3A_18 : memref<3200xi32, #tpu.memory_space<hbm>>) dst(%dma_wait3A_17 : memref<3200xi32, #tpu.memory_space<vmem>>)
      %mul3A_19 = arith.constant 25 : i32
      %mul3A_20 = arith.muli %add3A, %mul3A_19 : i32
      %mul3A_21 = arith.constant 512 : i32
      %mul3A_22 = arith.muli %mul3A_20, %mul3A_21 : i32
      %parallel_loop3A = arith.constant 0 : i32
      %parallel_loop3A_23 = arith.constant 96 : i32
      %parallel_loop3A_24 = arith.constant 1 : i32
      scf.for %parallel_loop3A_54 = %parallel_loop3A to %parallel_loop3A_23 step %parallel_loop3A_24  : i32 {
        %parallel_loop3A_55 = arith.constant 16 : i32
        %parallel_loop3A_56 = arith.muli %parallel_loop3A_54, %parallel_loop3A_55 : i32
        %parallel_loop3A_57 = arith.index_cast %parallel_loop3A_56 : i32 to index
        %parallel_loop3A_58 = tpu.vector_load %arg6[%parallel_loop3A_57] {strides = array<i32>} : memref<3200xi32, #tpu.memory_space<vmem>>, vector<16xi32>,
        %parallel_loop3A_59 = arith.constant 3 : i32
        %parallel_loop3A_60 = arith.shrsi %parallel_loop3A_54, %parallel_loop3A_59 : i32
        %parallel_loop3A_61 = arith.constant 512 : i32
        %parallel_loop3A_62 = arith.muli %parallel_loop3A_60, %parallel_loop3A_61 : i32
        %parallel_loop3A_63 = arith.constant 7 : i32
        %parallel_loop3A_64 = arith.andi %parallel_loop3A_54, %parallel_loop3A_63 : i32
        %parallel_loop3A_65 = arith.constant 16 : i32
        %parallel_loop3A_66 = arith.muli %parallel_loop3A_64, %parallel_loop3A_65 : i32
        %parallel_loop3A_67 = arith.addi %parallel_loop3A_62, %parallel_loop3A_66 : i32
        %parallel_loop3A_68 = arith.constant 0 : i32
        %parallel_loop3A_69 = tpu.memref_slice %arg5[%parallel_loop3A_68] : memref<512xf32, #tpu.memory_space<vmem>> -> memref<128xf32, #tpu.memory_space<vmem>>
        %parallel_loop3A_70 = tpu.vector_load_idx %parallel_loop3A_69[%parallel_loop3A_58] : memref<128xf32, #tpu.memory_space<vmem>>[vector<16xi32>], vector<16xf32>,
        %parallel_loop3A_71 = arith.constant 0 : i32
        %parallel_loop3A_72 = arith.addi %parallel_loop3A_67, %parallel_loop3A_71 : i32
        %parallel_loop3A_73 = arith.index_cast %parallel_loop3A_72 : i32 to index
        %parallel_loop3A_74 = tpu.vector_load %arg7[%parallel_loop3A_73] {strides = array<i32>} : memref<12800xf32, #tpu.memory_space<vmem>>, vector<16xf32>,
        tpu.vector_store %arg7[%parallel_loop3A_73], %parallel_loop3A_70 {strides = array<i32>} : memref<12800xf32, #tpu.memory_space<vmem>>, vector<16xf32>,
        %parallel_loop3A_75 = arith.constant 128 : i32
        %parallel_loop3A_76 = tpu.memref_slice %arg5[%parallel_loop3A_75] : memref<512xf32, #tpu.memory_space<vmem>> -> memref<128xf32, #tpu.memory_space<vmem>>
        %parallel_loop3A_77 = tpu.vector_load_idx %parallel_loop3A_76[%parallel_loop3A_58] : memref<128xf32, #tpu.memory_space<vmem>>[vector<16xi32>], vector<16xf32>,
        %parallel_loop3A_78 = arith.constant 128 : i32
        %parallel_loop3A_79 = arith.addi %parallel_loop3A_67, %parallel_loop3A_78 : i32
        %parallel_loop3A_80 = arith.index_cast %parallel_loop3A_79 : i32 to index
        %parallel_loop3A_81 = tpu.vector_load %arg7[%parallel_loop3A_80] {strides = array<i32>} : memref<12800xf32, #tpu.memory_space<vmem>>, vector<16xf32>,
        tpu.vector_store %arg7[%parallel_loop3A_80], %parallel_loop3A_77 {strides = array<i32>} : memref<12800xf32, #tpu.memory_space<vmem>>, vector<16xf32>,
        %parallel_loop3A_82 = arith.constant 256 : i32
        %parallel_loop3A_83 = tpu.memref_slice %arg5[%parallel_loop3A_82] : memref<512xf32, #tpu.memory_space<vmem>> -> memref<128xf32, #tpu.memory_space<vmem>>
        %parallel_loop3A_84 = tpu.vector_load_idx %parallel_loop3A_83[%parallel_loop3A_58] : memref<128xf32, #tpu.memory_space<vmem>>[vector<16xi32>], vector<16xf32>,
        %parallel_loop3A_85 = arith.constant 256 : i32
        %parallel_loop3A_86 = arith.addi %parallel_loop3A_67, %parallel_loop3A_85 : i32
        %parallel_loop3A_87 = arith.index_cast %parallel_loop3A_86 : i32 to index
        %parallel_loop3A_88 = tpu.vector_load %arg7[%parallel_loop3A_87] {strides = array<i32>} : memref<12800xf32, #tpu.memory_space<vmem>>, vector<16xf32>,
        tpu.vector_store %arg7[%parallel_loop3A_87], %parallel_loop3A_84 {strides = array<i32>} : memref<12800xf32, #tpu.memory_space<vmem>>, vector<16xf32>,
        %parallel_loop3A_89 = arith.constant 384 : i32
        %parallel_loop3A_90 = tpu.memref_slice %arg5[%parallel_loop3A_89] : memref<512xf32, #tpu.memory_space<vmem>> -> memref<128xf32, #tpu.memory_space<vmem>>
        %parallel_loop3A_91 = tpu.vector_load_idx %parallel_loop3A_90[%parallel_loop3A_58] : memref<128xf32, #tpu.memory_space<vmem>>[vector<16xi32>], vector<16xf32>,
        %parallel_loop3A_92 = arith.constant 384 : i32
        %parallel_loop3A_93 = arith.addi %parallel_loop3A_67, %parallel_loop3A_92 : i32
        %parallel_loop3A_94 = arith.index_cast %parallel_loop3A_93 : i32 to index
        %parallel_loop3A_95 = tpu.vector_load %arg7[%parallel_loop3A_94] {strides = array<i32>} : memref<12800xf32, #tpu.memory_space<vmem>>, vector<16xf32>,
        tpu.vector_store %arg7[%parallel_loop3A_94], %parallel_loop3A_91 {strides = array<i32>} : memref<12800xf32, #tpu.memory_space<vmem>>, vector<16xf32>,
      } {sc.loop_unroll_factor = 8 : i64, sc.parallel_access}
      %dma_start3A_25 = arith.constant 0 : i32
      %dma_start3A_26 = tpu.memref_slice %arg7[%dma_start3A_25] : memref<12800xf32, #tpu.memory_space<vmem>> -> memref<6144xf32, #tpu.memory_space<vmem>>
      %dma_start3A_27 = tpu.memref_slice %arg4[%mul3A_22] : memref<400384xf32, #tpu.memory_space<hbm>> -> memref<6144xf32, #tpu.memory_space<hbm>>
      %dma_start3A_28 = tpu.memref_slice %arg4[%mul3A_22] : memref<400384xf32, #tpu.memory_space<hbm>> -> memref<6144xf32, #tpu.memory_space<hbm>>
      %dma_start3A_29 = arith.constant 0 : i32
      %dma_start3A_30 = tpu.memref_slice %arg7[%dma_start3A_29] : memref<12800xf32, #tpu.memory_space<vmem>> -> memref<6144xf32, #tpu.memory_space<vmem>>
      tpu.enqueue_dma source(%dma_start3A_30 : memref<6144xf32, #tpu.memory_space<vmem>>) target(%dma_start3A_28 : memref<6144xf32, #tpu.memory_space<hbm>>) target_semaphore(%arg10 : memref<!tpu.dma_semaphore, #tpu.memory_space<semaphore_mem>>)
      %parallel_loop3A_31 = arith.constant 96 : i32
      %parallel_loop3A_32 = arith.constant 200 : i32
      %parallel_loop3A_33 = arith.constant 1 : i32
      scf.for %parallel_loop3A_54 = %parallel_loop3A_31 to %parallel_loop3A_32 step %parallel_loop3A_33  : i32 {
        %parallel_loop3A_55 = arith.constant 16 : i32
        %parallel_loop3A_56 = arith.muli %parallel_loop3A_54, %parallel_loop3A_55 : i32
        %parallel_loop3A_57 = arith.index_cast %parallel_loop3A_56 : i32 to index
        %parallel_loop3A_58 = tpu.vector_load %arg6[%parallel_loop3A_57] {strides = array<i32>} : memref<3200xi32, #tpu.memory_space<vmem>>, vector<16xi32>,
        %parallel_loop3A_59 = arith.constant 3 : i32
        %parallel_loop3A_60 = arith.shrsi %parallel_loop3A_54, %parallel_loop3A_59 : i32
        %parallel_loop3A_61 = arith.constant 512 : i32
        %parallel_loop3A_62 = arith.muli %parallel_loop3A_60, %parallel_loop3A_61 : i32
        %parallel_loop3A_63 = arith.constant 7 : i32
        %parallel_loop3A_64 = arith.andi %parallel_loop3A_54, %parallel_loop3A_63 : i32
        %parallel_loop3A_65 = arith.constant 16 : i32
        %parallel_loop3A_66 = arith.muli %parallel_loop3A_64, %parallel_loop3A_65 : i32
        %parallel_loop3A_67 = arith.addi %parallel_loop3A_62, %parallel_loop3A_66 : i32
        %parallel_loop3A_68 = arith.constant 0 : i32
        %parallel_loop3A_69 = tpu.memref_slice %arg5[%parallel_loop3A_68] : memref<512xf32, #tpu.memory_space<vmem>> -> memref<128xf32, #tpu.memory_space<vmem>>
        %parallel_loop3A_70 = tpu.vector_load_idx %parallel_loop3A_69[%parallel_loop3A_58] : memref<128xf32, #tpu.memory_space<vmem>>[vector<16xi32>], vector<16xf32>,
        %parallel_loop3A_71 = arith.constant 0 : i32
        %parallel_loop3A_72 = arith.addi %parallel_loop3A_67, %parallel_loop3A_71 : i32
        %parallel_loop3A_73 = arith.index_cast %parallel_loop3A_72 : i32 to index
        %parallel_loop3A_74 = tpu.vector_load %arg7[%parallel_loop3A_73] {strides = array<i32>} : memref<12800xf32, #tpu.memory_space<vmem>>, vector<16xf32>,
        tpu.vector_store %arg7[%parallel_loop3A_73], %parallel_loop3A_70 {strides = array<i32>} : memref<12800xf32, #tpu.memory_space<vmem>>, vector<16xf32>,
        %parallel_loop3A_75 = arith.constant 128 : i32
        %parallel_loop3A_76 = tpu.memref_slice %arg5[%parallel_loop3A_75] : memref<512xf32, #tpu.memory_space<vmem>> -> memref<128xf32, #tpu.memory_space<vmem>>
        %parallel_loop3A_77 = tpu.vector_load_idx %parallel_loop3A_76[%parallel_loop3A_58] : memref<128xf32, #tpu.memory_space<vmem>>[vector<16xi32>], vector<16xf32>,
        %parallel_loop3A_78 = arith.constant 128 : i32
        %parallel_loop3A_79 = arith.addi %parallel_loop3A_67, %parallel_loop3A_78 : i32
        %parallel_loop3A_80 = arith.index_cast %parallel_loop3A_79 : i32 to index
        %parallel_loop3A_81 = tpu.vector_load %arg7[%parallel_loop3A_80] {strides = array<i32>} : memref<12800xf32, #tpu.memory_space<vmem>>, vector<16xf32>,
        tpu.vector_store %arg7[%parallel_loop3A_80], %parallel_loop3A_77 {strides = array<i32>} : memref<12800xf32, #tpu.memory_space<vmem>>, vector<16xf32>,
        %parallel_loop3A_82 = arith.constant 256 : i32
        %parallel_loop3A_83 = tpu.memref_slice %arg5[%parallel_loop3A_82] : memref<512xf32, #tpu.memory_space<vmem>> -> memref<128xf32, #tpu.memory_space<vmem>>
        %parallel_loop3A_84 = tpu.vector_load_idx %parallel_loop3A_83[%parallel_loop3A_58] : memref<128xf32, #tpu.memory_space<vmem>>[vector<16xi32>], vector<16xf32>,
        %parallel_loop3A_85 = arith.constant 256 : i32
        %parallel_loop3A_86 = arith.addi %parallel_loop3A_67, %parallel_loop3A_85 : i32
        %parallel_loop3A_87 = arith.index_cast %parallel_loop3A_86 : i32 to index
        %parallel_loop3A_88 = tpu.vector_load %arg7[%parallel_loop3A_87] {strides = array<i32>} : memref<12800xf32, #tpu.memory_space<vmem>>, vector<16xf32>,
        tpu.vector_store %arg7[%parallel_loop3A_87], %parallel_loop3A_84 {strides = array<i32>} : memref<12800xf32, #tpu.memory_space<vmem>>, vector<16xf32>,
        %parallel_loop3A_89 = arith.constant 384 : i32
        %parallel_loop3A_90 = tpu.memref_slice %arg5[%parallel_loop3A_89] : memref<512xf32, #tpu.memory_space<vmem>> -> memref<128xf32, #tpu.memory_space<vmem>>
        %parallel_loop3A_91 = tpu.vector_load_idx %parallel_loop3A_90[%parallel_loop3A_58] : memref<128xf32, #tpu.memory_space<vmem>>[vector<16xi32>], vector<16xf32>,
        %parallel_loop3A_92 = arith.constant 384 : i32
        %parallel_loop3A_93 = arith.addi %parallel_loop3A_67, %parallel_loop3A_92 : i32
        %parallel_loop3A_94 = arith.index_cast %parallel_loop3A_93 : i32 to index
        %parallel_loop3A_95 = tpu.vector_load %arg7[%parallel_loop3A_94] {strides = array<i32>} : memref<12800xf32, #tpu.memory_space<vmem>>, vector<16xf32>,
        tpu.vector_store %arg7[%parallel_loop3A_94], %parallel_loop3A_91 {strides = array<i32>} : memref<12800xf32, #tpu.memory_space<vmem>>, vector<16xf32>,
      } {sc.loop_unroll_factor = 8 : i64, sc.parallel_access}
      %add3A_34 = arith.constant 6144 : i32
      %add3A_35 = arith.addi %mul3A_22, %add3A_34 : i32
      %dma_start3A_36 = arith.constant 6144 : i32
      %dma_start3A_37 = tpu.memref_slice %arg7[%dma_start3A_36] : memref<12800xf32, #tpu.memory_space<vmem>> -> memref<6656xf32, #tpu.memory_space<vmem>>
      %dma_start3A_38 = tpu.memref_slice %arg4[%add3A_35] : memref<400384xf32, #tpu.memory_space<hbm>> -> memref<6656xf32, #tpu.memory_space<hbm>>
      %dma_start3A_39 = tpu.memref_slice %arg4[%add3A_35] : memref<400384xf32, #tpu.memory_space<hbm>> -> memref<6656xf32, #tpu.memory_space<hbm>>
      %dma_start3A_40 = arith.constant 6144 : i32
      %dma_start3A_41 = tpu.memref_slice %arg7[%dma_start3A_40] : memref<12800xf32, #tpu.memory_space<vmem>> -> memref<6656xf32, #tpu.memory_space<vmem>>
      tpu.enqueue_dma source(%dma_start3A_41 : memref<6656xf32, #tpu.memory_space<vmem>>) target(%dma_start3A_39 : memref<6656xf32, #tpu.memory_space<hbm>>) target_semaphore(%arg11 : memref<!tpu.dma_semaphore, #tpu.memory_space<semaphore_mem>>)
      %dma_wait3A_42 = arith.constant 0 : i32
      %dma_wait3A_43 = tpu.memref_slice %arg7[%dma_wait3A_42] : memref<12800xf32, #tpu.memory_space<vmem>> -> memref<6144xf32, #tpu.memory_space<vmem>>
      %dma_wait3A_44 = tpu.memref_slice %arg4[%mul3A_22] : memref<400384xf32, #tpu.memory_space<hbm>> -> memref<6144xf32, #tpu.memory_space<hbm>>
      %dma_wait3A_45 = tpu.memref_slice %arg4[%mul3A_22] : memref<400384xf32, #tpu.memory_space<hbm>> -> memref<6144xf32, #tpu.memory_space<hbm>>
      %dma_wait3A_46 = arith.constant 0 : i32
      %dma_wait3A_47 = tpu.memref_slice %arg7[%dma_wait3A_46] : memref<12800xf32, #tpu.memory_space<vmem>> -> memref<6144xf32, #tpu.memory_space<vmem>>
      tpu.wait_dma2 semaphore(%arg10 : memref<!tpu.dma_semaphore, #tpu.memory_space<semaphore_mem>>) src(%dma_wait3A_47 : memref<6144xf32, #tpu.memory_space<vmem>>) dst(%dma_wait3A_45 : memref<6144xf32, #tpu.memory_space<hbm>>)
      %dma_wait3A_48 = arith.constant 6144 : i32
      %dma_wait3A_49 = tpu.memref_slice %arg7[%dma_wait3A_48] : memref<12800xf32, #tpu.memory_space<vmem>> -> memref<6656xf32, #tpu.memory_space<vmem>>
      %dma_wait3A_50 = tpu.memref_slice %arg4[%add3A_35] : memref<400384xf32, #tpu.memory_space<hbm>> -> memref<6656xf32, #tpu.memory_space<hbm>>
      %dma_wait3A_51 = tpu.memref_slice %arg4[%add3A_35] : memref<400384xf32, #tpu.memory_space<hbm>> -> memref<6656xf32, #tpu.memory_space<hbm>>
      %dma_wait3A_52 = arith.constant 6144 : i32
      %dma_wait3A_53 = tpu.memref_slice %arg7[%dma_wait3A_52] : memref<12800xf32, #tpu.memory_space<vmem>> -> memref<6656xf32, #tpu.memory_space<vmem>>
      tpu.wait_dma2 semaphore(%arg11 : memref<!tpu.dma_semaphore, #tpu.memory_space<semaphore_mem>>) src(%dma_wait3A_53 : memref<6656xf32, #tpu.memory_space<vmem>>) dst(%dma_wait3A_51 : memref<6656xf32, #tpu.memory_space<hbm>>)
    } else {
    }
    %eq3A = arith.constant 31 : i32
    %eq3A_3 = arith.cmpi eq, %add3A, %eq3A : i32
    %convert_element_type3A_4 = arith.extui %eq3A_3 : i1 to i32
    %cond3A_5 = arith.constant 0 : i32
    %cond3A_6 = arith.cmpi ne, %convert_element_type3A_4, %cond3A_5 : i32
    scf.if %cond3A_6 {
      %mul3A_7 = arith.constant 3200 : i32
      %mul3A_8 = arith.muli %add3A, %mul3A_7 : i32
      %dma_start3A = arith.constant 0 : i32
      %dma_start3A_9 = tpu.memref_slice %arg6[%dma_start3A] : memref<3200xi32, #tpu.memory_space<vmem>> -> memref<800xi32, #tpu.memory_space<vmem>>
      %dma_start3A_10 = tpu.memref_slice %arg2[%mul3A_8] : memref<100000xi32, #tpu.memory_space<hbm>> -> memref<800xi32, #tpu.memory_space<hbm>>
      %dma_start3A_11 = arith.constant 0 : i32
      %dma_start3A_12 = tpu.memref_slice %arg6[%dma_start3A_11] : memref<3200xi32, #tpu.memory_space<vmem>> -> memref<800xi32, #tpu.memory_space<vmem>>
      %dma_start3A_13 = tpu.memref_slice %arg2[%mul3A_8] : memref<100000xi32, #tpu.memory_space<hbm>> -> memref<800xi32, #tpu.memory_space<hbm>>
      tpu.enqueue_dma source(%dma_start3A_13 : memref<800xi32, #tpu.memory_space<hbm>>) target(%dma_start3A_12 : memref<800xi32, #tpu.memory_space<vmem>>) target_semaphore(%arg9 : memref<!tpu.dma_semaphore, #tpu.memory_space<semaphore_mem>>)
      tpu.enqueue_dma source(%arg3 : memref<512xf32, #tpu.memory_space<hbm>>) target(%arg5 : memref<512xf32, #tpu.memory_space<vmem>>) target_semaphore(%arg8 : memref<!tpu.dma_semaphore, #tpu.memory_space<semaphore_mem>>)
      tpu.wait_dma2 semaphore(%arg8 : memref<!tpu.dma_semaphore, #tpu.memory_space<semaphore_mem>>) src(%arg3 : memref<512xf32, #tpu.memory_space<hbm>>) dst(%arg5 : memref<512xf32, #tpu.memory_space<vmem>>)
      %dma_wait3A = arith.constant 0 : i32
      %dma_wait3A_14 = tpu.memref_slice %arg6[%dma_wait3A] : memref<3200xi32, #tpu.memory_space<vmem>> -> memref<800xi32, #tpu.memory_space<vmem>>
      %dma_wait3A_15 = tpu.memref_slice %arg2[%mul3A_8] : memref<100000xi32, #tpu.memory_space<hbm>> -> memref<800xi32, #tpu.memory_space<hbm>>
      %dma_wait3A_16 = arith.constant 0 : i32
      %dma_wait3A_17 = tpu.memref_slice %arg6[%dma_wait3A_16] : memref<3200xi32, #tpu.memory_space<vmem>> -> memref<800xi32, #tpu.memory_space<vmem>>
      %dma_wait3A_18 = tpu.memref_slice %arg2[%mul3A_8] : memref<100000xi32, #tpu.memory_space<hbm>> -> memref<800xi32, #tpu.memory_space<hbm>>
      tpu.wait_dma2 semaphore(%arg9 : memref<!tpu.dma_semaphore, #tpu.memory_space<semaphore_mem>>) src(%dma_wait3A_18 : memref<800xi32, #tpu.memory_space<hbm>>) dst(%dma_wait3A_17 : memref<800xi32, #tpu.memory_space<vmem>>)
      %mul3A_19 = arith.constant 25 : i32
      %mul3A_20 = arith.muli %add3A, %mul3A_19 : i32
      %mul3A_21 = arith.constant 512 : i32
      %mul3A_22 = arith.muli %mul3A_20, %mul3A_21 : i32
      %parallel_loop3A = arith.constant 0 : i32
      %parallel_loop3A_23 = arith.constant 50 : i32
      %parallel_loop3A_24 = arith.constant 1 : i32
      scf.for %parallel_loop3A_37 = %parallel_loop3A to %parallel_loop3A_23 step %parallel_loop3A_24  : i32 {
        %parallel_loop3A_38 = arith.constant 16 : i32
        %parallel_loop3A_39 = arith.muli %parallel_loop3A_37, %parallel_loop3A_38 : i32
        %parallel_loop3A_40 = arith.index_cast %parallel_loop3A_39 : i32 to index
        %parallel_loop3A_41 = tpu.vector_load %arg6[%parallel_loop3A_40] {strides = array<i32>} : memref<3200xi32, #tpu.memory_space<vmem>>, vector<16xi32>,
        %parallel_loop3A_42 = arith.constant 3 : i32
        %parallel_loop3A_43 = arith.shrsi %parallel_loop3A_37, %parallel_loop3A_42 : i32
        %parallel_loop3A_44 = arith.constant 512 : i32
        %parallel_loop3A_45 = arith.muli %parallel_loop3A_43, %parallel_loop3A_44 : i32
        %parallel_loop3A_46 = arith.constant 7 : i32
        %parallel_loop3A_47 = arith.andi %parallel_loop3A_37, %parallel_loop3A_46 : i32
        %parallel_loop3A_48 = arith.constant 16 : i32
        %parallel_loop3A_49 = arith.muli %parallel_loop3A_47, %parallel_loop3A_48 : i32
        %parallel_loop3A_50 = arith.addi %parallel_loop3A_45, %parallel_loop3A_49 : i32
        %parallel_loop3A_51 = arith.constant 0 : i32
        %parallel_loop3A_52 = tpu.memref_slice %arg5[%parallel_loop3A_51] : memref<512xf32, #tpu.memory_space<vmem>> -> memref<128xf32, #tpu.memory_space<vmem>>
        %parallel_loop3A_53 = tpu.vector_load_idx %parallel_loop3A_52[%parallel_loop3A_41] : memref<128xf32, #tpu.memory_space<vmem>>[vector<16xi32>], vector<16xf32>,
        %parallel_loop3A_54 = arith.constant 0 : i32
        %parallel_loop3A_55 = arith.addi %parallel_loop3A_50, %parallel_loop3A_54 : i32
        %parallel_loop3A_56 = arith.index_cast %parallel_loop3A_55 : i32 to index
        %parallel_loop3A_57 = tpu.vector_load %arg7[%parallel_loop3A_56] {strides = array<i32>} : memref<12800xf32, #tpu.memory_space<vmem>>, vector<16xf32>,
        tpu.vector_store %arg7[%parallel_loop3A_56], %parallel_loop3A_53 {strides = array<i32>} : memref<12800xf32, #tpu.memory_space<vmem>>, vector<16xf32>,
        %parallel_loop3A_58 = arith.constant 128 : i32
        %parallel_loop3A_59 = tpu.memref_slice %arg5[%parallel_loop3A_58] : memref<512xf32, #tpu.memory_space<vmem>> -> memref<128xf32, #tpu.memory_space<vmem>>
        %parallel_loop3A_60 = tpu.vector_load_idx %parallel_loop3A_59[%parallel_loop3A_41] : memref<128xf32, #tpu.memory_space<vmem>>[vector<16xi32>], vector<16xf32>,
        %parallel_loop3A_61 = arith.constant 128 : i32
        %parallel_loop3A_62 = arith.addi %parallel_loop3A_50, %parallel_loop3A_61 : i32
        %parallel_loop3A_63 = arith.index_cast %parallel_loop3A_62 : i32 to index
        %parallel_loop3A_64 = tpu.vector_load %arg7[%parallel_loop3A_63] {strides = array<i32>} : memref<12800xf32, #tpu.memory_space<vmem>>, vector<16xf32>,
        tpu.vector_store %arg7[%parallel_loop3A_63], %parallel_loop3A_60 {strides = array<i32>} : memref<12800xf32, #tpu.memory_space<vmem>>, vector<16xf32>,
        %parallel_loop3A_65 = arith.constant 256 : i32
        %parallel_loop3A_66 = tpu.memref_slice %arg5[%parallel_loop3A_65] : memref<512xf32, #tpu.memory_space<vmem>> -> memref<128xf32, #tpu.memory_space<vmem>>
        %parallel_loop3A_67 = tpu.vector_load_idx %parallel_loop3A_66[%parallel_loop3A_41] : memref<128xf32, #tpu.memory_space<vmem>>[vector<16xi32>], vector<16xf32>,
        %parallel_loop3A_68 = arith.constant 256 : i32
        %parallel_loop3A_69 = arith.addi %parallel_loop3A_50, %parallel_loop3A_68 : i32
        %parallel_loop3A_70 = arith.index_cast %parallel_loop3A_69 : i32 to index
        %parallel_loop3A_71 = tpu.vector_load %arg7[%parallel_loop3A_70] {strides = array<i32>} : memref<12800xf32, #tpu.memory_space<vmem>>, vector<16xf32>,
        tpu.vector_store %arg7[%parallel_loop3A_70], %parallel_loop3A_67 {strides = array<i32>} : memref<12800xf32, #tpu.memory_space<vmem>>, vector<16xf32>,
        %parallel_loop3A_72 = arith.constant 384 : i32
        %parallel_loop3A_73 = tpu.memref_slice %arg5[%parallel_loop3A_72] : memref<512xf32, #tpu.memory_space<vmem>> -> memref<128xf32, #tpu.memory_space<vmem>>
        %parallel_loop3A_74 = tpu.vector_load_idx %parallel_loop3A_73[%parallel_loop3A_41] : memref<128xf32, #tpu.memory_space<vmem>>[vector<16xi32>], vector<16xf32>,
        %parallel_loop3A_75 = arith.constant 384 : i32
        %parallel_loop3A_76 = arith.addi %parallel_loop3A_50, %parallel_loop3A_75 : i32
        %parallel_loop3A_77 = arith.index_cast %parallel_loop3A_76 : i32 to index
        %parallel_loop3A_78 = tpu.vector_load %arg7[%parallel_loop3A_77] {strides = array<i32>} : memref<12800xf32, #tpu.memory_space<vmem>>, vector<16xf32>,
        tpu.vector_store %arg7[%parallel_loop3A_77], %parallel_loop3A_74 {strides = array<i32>} : memref<12800xf32, #tpu.memory_space<vmem>>, vector<16xf32>,
      } {sc.loop_unroll_factor = 8 : i64, sc.parallel_access}
      %dma_start3A_25 = arith.constant 0 : i32
      %dma_start3A_26 = tpu.memref_slice %arg7[%dma_start3A_25] : memref<12800xf32, #tpu.memory_space<vmem>> -> memref<3584xf32, #tpu.memory_space<vmem>>
      %dma_start3A_27 = tpu.memref_slice %arg4[%mul3A_22] : memref<400384xf32, #tpu.memory_space<hbm>> -> memref<3584xf32, #tpu.memory_space<hbm>>
      %dma_start3A_28 = tpu.memref_slice %arg4[%mul3A_22] : memref<400384xf32, #tpu.memory_space<hbm>> -> memref<3584xf32, #tpu.memory_space<hbm>>
      %dma_start3A_29 = arith.constant 0 : i32
      %dma_start3A_30 = tpu.memref_slice %arg7[%dma_start3A_29] : memref<12800xf32, #tpu.memory_space<vmem>> -> memref<3584xf32, #tpu.memory_space<vmem>>
      tpu.enqueue_dma source(%dma_start3A_30 : memref<3584xf32, #tpu.memory_space<vmem>>) target(%dma_start3A_28 : memref<3584xf32, #tpu.memory_space<hbm>>) target_semaphore(%arg10 : memref<!tpu.dma_semaphore, #tpu.memory_space<semaphore_mem>>)
      %dma_wait3A_31 = arith.constant 0 : i32
      %dma_wait3A_32 = tpu.memref_slice %arg7[%dma_wait3A_31] : memref<12800xf32, #tpu.memory_space<vmem>> -> memref<3584xf32, #tpu.memory_space<vmem>>
      %dma_wait3A_33 = tpu.memref_slice %arg4[%mul3A_22] : memref<400384xf32, #tpu.memory_space<hbm>> -> memref<3584xf32, #tpu.memory_space<hbm>>
      %dma_wait3A_34 = tpu.memref_slice %arg4[%mul3A_22] : memref<400384xf32, #tpu.memory_space<hbm>> -> memref<3584xf32, #tpu.memory_space<hbm>>
      %dma_wait3A_35 = arith.constant 0 : i32
      %dma_wait3A_36 = tpu.memref_slice %arg7[%dma_wait3A_35] : memref<12800xf32, #tpu.memory_space<vmem>> -> memref<3584xf32, #tpu.memory_space<vmem>>
      tpu.wait_dma2 semaphore(%arg10 : memref<!tpu.dma_semaphore, #tpu.memory_space<semaphore_mem>>) src(%dma_wait3A_36 : memref<3584xf32, #tpu.memory_space<vmem>>) dst(%dma_wait3A_34 : memref<3584xf32, #tpu.memory_space<hbm>>)
    } else {
    }
    return
  }
}

</mosaic_0001>

<sc_bundles>
// kernel: kernel.3.cloned.1.call-start
scs
__scs_entry_jumppad:
0x0: {  	(pc) =	sbr.rel $0x88, $3  }
0x1: {  	(tag) =	ssettag $0x0;
	lr =	simm.s32 $0x1  }
0x2: {  	[smem:$0x3F9F] =	sst lr;
	_ =	strace $0xD0000000  }
0x3: {  	_ = 	snop  }
0x4: {  	_ = 	snop  }
0x5: {  	_ = 	snop  }
0x6: {  	_ = 	snop  }
0x7: {  	_ = 	snop  }
__scs_overlays_trampoline_lowered:
0x8: {  	[smem:$0x3FAE] =	sst s0  }
0x9: {  	[smem:$0x3FAF] =	sst s1  }
0xa: {  	[smem:$0x3FB0] =	sst s2  }
0xb: {  	[smem:$0x3FB1] =	sst s3  }
0xc: {  	[smem:$0x3FB2] =	sst s4  }
0xd: {  	[smem:$0x3FB3] =	sst s5  }
0xe: {  	[smem:$0x3FB4] =	sst s6  }
0xf: {  	[smem:$0x3FB5] =	sst s7  }
0x10: {  	[smem:$0x3FB6] =	sst s8  }
0x11: {  	[smem:$0x3FB7] =	sst s9;
	s0 =	simm.s32 @!p0 $0x0  }
0x12: {  	s1 =	sld [smem:$0x3F9D];
	s0 =	simm.s32 @p0 $0x1  }
0x13: {  	[smem:$0x3FB8] =	sst s0;
	s0 =	simm.s32 @!p1 $0x0  }
0x14: {  	s2 =	sld [smem:$0x3F9C];
	s0 =	simm.s32 @p1 $0x1  }
0x15: {  	[smem:$0x3FB9] =	sst s0;
	s0 =	simm.s32 @!p2 $0x0  }
0x16: {  	s3 =	sld [smem:$0x3FDB];
	s0 =	simm.s32 @p2 $0x1  }
0x17: {  	s4 =	simm.s32 $0x1BF5;
	[smem:$0x3FBB] =	sst s0  }
0x18: {  	s0 =	sld [smem:$0x3F9E];
	_ =	swait.ge [sflag:s4], $0x0  }
0x19: {  	s7 =	sld [smem:$0x3F9F]  }
0x1a: {  	s8 =	sadd.s32 $0xFFFFE003, lr  }
0x1b: {  	s9 =	sadd.s32 $0xFFFFFEF7, lr;
	s5 =	simm.s32 $0xFFFFFFFF;
	p2 =	slt.u32 s8, $0xFFFFF086  }
0x1c: {  	p1 =	slt.u32 s9, $0xF7A;
	s5 =	simm.s32 @!p2 $0x0  }
0x1d: {  	s5 =	simm.s32 @p1 $0x1;
	p0 =	seq.s32 s7, s2  }
0x1e: {  	s7 =	smul.u32 @!p0 $0xF7A, s2;
	p2 =	seq.s32 @!p0 s5, $0x0  }
0x1f: {  	s9 =	smul.u32 $0xF7A, s1;
	s8 =	simm.s32 @!p0 $0x1BF5;
	p2 =	por !p2, p0  }
0x20: {  	[sflag:s8] =	ssyncset.s32 @!p0 $0xFFFFF086;
	s6 =	sadd.s32 @!p0 s3, s7;
	s7 =	simm.s32 @!p0 $0x108  }
0x21: {  	s3 =	sadd.s32 s3, s9;
	s6 =	sadd.s32 @!p0 $0x88, s6;
	s7 =	simm.s32 @p2 $0x1082  }
0x22: {  	[simem:s7], [sflag:s8] =	dma.local @!p0 [hbm:s6], $0xF7A  }
0x23: {  	s9 =	sor.u32 $0xD0000000, s2;
	s6 =	simm.s32 $0x108;
	_ =	swait.ge @!p0 [sflag:s8], $0x0  }
0x24: {  	s3 =	sadd.s32 $0x88, s3;
	s6 =	simm.s32 @!p1 $0x1082;
	[sflag:s4] =	ssyncset.s32 $0xFFFFF086  }
0x25: {  	[simem:s6], [sflag:s4] =	dma.local [hbm:s3], $0xF7A  }
0x26: {  	[smem:$0x3F9F] =	sst s1;
	(tag) =	ssettag s2;
	_ =	strace s9  }
0x27: {  	s1 =	sld [smem:$0x3FAF]  }
0x28: {  	s2 =	sld [smem:$0x3FB0]  }
0x29: {  	s4 =	sld [smem:$0x3FB2]  }
0x2a: {  	p0 =	seq.s32 s5, $0x0;
	s5 =	sld [smem:$0x3FB3]  }
0x2b: {  	s6 =	sld [smem:$0x3FB4]  }
0x2c: {  	s7 =	sld [smem:$0x3FB5]  }
0x2d: {  	s3 =	simm.s32 $0x108;
	s8 =	sld [smem:$0x3FB6]  }
0x2e: {  	s3 =	simm.s32 @!p0 $0x1082;
	s9 =	sld [smem:$0x3FB7]  }
0x2f: {  	lr =	sadd.s32 s0, s3;
	s0 =	sld [smem:$0x3FAE]  }
0x30: {  	s3 =	sld [smem:$0x3FB1]  }
0x31: {  	[smem:$0x3FBA] =	sst s10  }
0x32: {  	s10 =	sld [smem:$0x3FB8];
	_ =	sdelay $0x3  }
0x33: {  	p0 =	seq.s32 s10, $0x1;
	s10 =	sld [smem:$0x3FBA];
	_ =	sdelay $0x3  }
0x34: {  	[smem:$0x3FBA] =	sst s10  }
0x35: {  	s10 =	sld [smem:$0x3FB9];
	_ =	sdelay $0x3  }
0x36: {  	p1 =	seq.s32 s10, $0x1;
	s10 =	sld [smem:$0x3FBA];
	_ =	sdelay $0x3  }
0x37: {  	[smem:$0x3FBA] =	sst s10  }
0x38: {  	s10 =	sld [smem:$0x3FBB]  }
0x39: {  	_ = 	snop;
	(pc) =	sbr.ind lr, $3  }
0x3a: {  	_ = 	snop  }
0x3b: {  	_ = 	snop  }
0x3c: {  	p2 =	seq.s32 s10, $0x1;
	s10 =	sld [smem:$0x3FBA]  }
0x3d: {  	_ =	shalt  }
0x3e: {  	_ =	shalt  }
0x3f: {  	_ =	shalt  }
0x40: {  	_ =	shalt  }
0x41: {  	_ =	shalt  }
0x42: {  	_ =	shalt  }
0x43: {  	_ =	shalt  }
0x44: {  	_ =	shalt  }
0x45: {  	_ =	shalt  }
0x46: {  	_ =	shalt  }
0x47: {  	_ =	shalt  }
0x48: {  	_ =	shalt  }
0x49: {  	_ =	shalt  }
0x4a: {  	_ =	shalt  }
0x4b: {  	_ =	shalt  }
0x4c: {  	_ =	shalt  }
0x4d: {  	_ =	shalt  }
0x4e: {  	_ =	shalt  }
0x4f: {  	_ =	shalt  }
0x50: {  	_ =	shalt  }
0x51: {  	_ =	shalt  }
0x52: {  	_ =	shalt  }
0x53: {  	_ =	shalt  }
0x54: {  	_ =	shalt  }
0x55: {  	_ =	shalt  }
0x56: {  	_ =	shalt  }
0x57: {  	_ =	shalt  }
0x58: {  	_ =	shalt  }
0x59: {  	_ =	shalt  }
0x5a: {  	_ =	shalt  }
0x5b: {  	_ =	shalt  }
0x5c: {  	_ =	shalt  }
0x5d: {  	_ =	shalt  }
0x5e: {  	_ =	shalt  }
0x5f: {  	_ =	shalt  }
0x60: {  	_ =	shalt  }
0x61: {  	_ =	shalt  }
0x62: {  	_ =	shalt  }
0x63: {  	_ =	shalt  }
0x64: {  	_ =	shalt  }
0x65: {  	_ =	shalt  }
0x66: {  	_ =	shalt  }
0x67: {  	_ =	shalt  }
0x68: {  	_ =	shalt  }
0x69: {  	_ =	shalt  }
0x6a: {  	_ =	shalt  }
0x6b: {  	_ =	shalt  }
0x6c: {  	_ =	shalt  }
0x6d: {  	_ =	shalt  }
0x6e: {  	_ =	shalt  }
0x6f: {  	_ =	shalt  }
0x70: {  	_ =	shalt  }
0x71: {  	_ =	shalt  }
0x72: {  	_ =	shalt  }
0x73: {  	_ =	shalt  }
0x74: {  	_ =	shalt  }
0x75: {  	_ =	shalt  }
0x76: {  	_ =	shalt  }
0x77: {  	_ =	shalt  }
0x78: {  	_ =	shalt  }
0x79: {  	_ =	shalt  }
0x7a: {  	_ =	shalt  }
0x7b: {  	_ =	shalt  }
0x7c: {  	_ =	shalt  }
0x7d: {  	_ =	shalt  }
0x7e: {  	_ =	shalt  }
0x7f: {  	_ =	shalt  }
0x80: {  	_ =	shalt  }
0x81: {  	_ =	shalt  }
0x82: {  	_ =	shalt  }
0x83: {  	_ =	shalt  }
0x84: {  	_ =	shalt  }
0x85: {  	_ =	shalt  }
0x86: {  	_ =	shalt  }
0x87: {  	_ =	shalt  }
.Lfunc_end0:
.L_simem_size_0:
called_computation_lowered:
.L_overlay_start_0:
0x88: {  	s2 =	sld [smem:$0x3FD9]  }
0x89: {  	s3 =	sld [smem:$0x3FFE];
	_ =	sdelay $0x1  }
0x8a: {  	s1 =	srdreg.scid  }
0x8b: {  	s0 =	sand.u32 $0x1, s1  }
0x8c: {  	s17 =	sshll.u32 s0, $0xA;
	s2 =	sadd.s32 s3, s2  }
0x8d: {  	s2 =	sadd.s32 s2, s17  }
0x8e: {  	[smem:$0x3FC6] =	sst s2  }
0x8f: {  	_ = 	snop  }
0x90: {  	s2 =	sld [smem:$0x3FC9]  }
0x91: {  	s18 =	sld [smem:$0x3FD0];
	(tm) =	ssettm $0x1  }
0x92: {  	s4 =	sld [smem:$0x3FFB];
	_ =	sdelay $0x3  }
0x93: {  	_ =	strace s4  }
0x94: {  	s4 =	sld [smem:$0x3FFC];
	_ =	sdelay $0x3  }
0x95: {  	_ =	strace s4  }
0x96: {  	s4 =	sld [smem:$0x3FFD];
	_ =	sdelay $0x3  }
0x97: {  	_ =	strace s4  }
0x98: {  	_ =	strace $0x8FFFFFFF  }
0x99: {  	s19 =	sld [smem:$0x3FDB];
	_ =	sdelay $0x1  }
0x9a: {  	s5 =	simm.s32 $_scs_section_size  }
0x9b: {  	s6 =	simm.s32 $_size__tile_overlayer_lowered;
	s7 =	simm.s32 $_tile_overlayer_lowered  }
0x9c: {  	s22 =	simm.s32 $0x1BFF;
	s21 =	sshll.u32 s7, $0x1;
	s4 =	sadd.s32 s5, s19  }
0x9d: {  	s8 =	simm.s32 $0x0;
	s20 =	sshll.u32 s6, $0x1;
	s6 =	sadd.s32 s21, s4  }
0x9e: {  	[timem:s8], [sflag:s22] =	dma.local [hbm:s6], s20  }
0x9f: {  	_ =	swait.ge [sflag:s22], s20  }
0xa0: {  	s5 =	ssub.s32 $0x0, s20;
	[sflag:s22] =	ssyncset.done $0x0  }
0xa1: {  	[sflag:s22] =	ssyncadd.s32 s5;
	_ =	sdelay $0x1  }
0xa2: {  	s23 =	simm.s32 $0x1B8B  }
0xa3: {  	_ =	swait.ge [sflag:s23], $0x1  }
0xa4: {  	[sflag:s23] =	ssyncset.done $0x0  }
0xa5: {  	s25 =	simm.s32 $0x1B8E;
	s24 =	sld [smem:$0x3FFE];
	[sflag:s23] =	ssyncadd.s32 $0xFFFFFFFF  }
0xa6: {  	s26 =	simm.s32 $execute0_lowered;
	[smem:$0x3FD2] =	sst s25  }
0xa7: {  	s6 =	sshll.u32 s26, $0x1;
	_ =	strace $0x80000046;
	[dreg:$0x1] =	wrdreg $0xFFFFFFFF  }
0xa8: {  	s28 =	simm.s32 $_size_execute0_lowered;
	s4 =	sadd.s32 s4, s6;
	[dreg:$0x0] =	wrdreg $0x0  }
0xa9: {  	s6 =	sshll.u32 s28, $0x1;
	[dreg:$0x2] =	wrdreg s4  }
0xaa: {  	[dreg:$0x3] =	wrdreg s6  }
0xab: {  	[dreg:$0x4] =	wrdreg $0xC0  }
0xac: {  	_ =	task [dreg:s8], $0x5FFFF  }
0xad: {  	[dreg:$0x1] =	wrdreg $0xFFFFFFFF  }
0xae: {  	[dreg:$0x0] =	wrdreg $0x60  }
0xaf: {  	[dreg:$0x2] =	wrdreg s2  }
0xb0: {  	[dreg:$0x3] =	wrdreg s24  }
0xb1: {  	[dreg:$0x4] =	wrdreg s18  }
0xb2: {  	[dreg:$0x5] =	wrdreg $0x9  }
0xb3: {  	_ =	task.clear_ibuf [dreg:s8], $0x6FFFF;
	_ =	strace $0x90000046  }
0xb4: {  	s29 =	simm.s32 $0x9;
	_ =	strace $0x80000048  }
0xb5: {  	_ =	swait.ge [sflag:s29], $0x1  }
0xb6: {  	[sflag:s29] =	ssyncadd.s32 $0xFFFFFFFF  }
0xb7: {  	_ =	strace $0x90000048  }
0xb8: {  	_ =	sfence  }
0xb9: {  	s30 =	sld [smem:$0x0];
	_ =	sdelay $0x2  }
0xba: {  	s31 =	sshll.u32 s1, $0xD;
	s1 =	sshrl.u32 s1, $0x2  }
0xbb: {  	s3 =	sand.u32 $0x4000, s31;
	s1 =	sadd.s32 s1, s30  }
0xbc: {  	s0 =	sor.u32 s3, s0;
	s1 =	sshll.u32 s1, $0x11  }
0xbd: {  	s0 =	sor.u32 s1, s0  }
0xbe: {  	s0 =	sadd.s32 $0x8F2B, s0  }
0xbf: {  	[sflag:s0] =	ssyncadd.remote.s32 $0x1  }
0xc0: {  	_ =	sfence.sel $0xFFFF  }
0xc1: {  	[dreg:$0x0] =	wrdreg $0xFFFFFFFF;
	(pc) =	sbr.abs _section_cstart, $3  }
0xc2: {  	[dreg:$0x1] =	wrdreg $0xFFFFFFFF  }
0xc3: {  	_ =	task.clear_ibuf [dreg:s8], $0x2FFFF;
	_ =	strace $0x9FFFFFFF  }
0xc4: {  	(tm) =	ssettm $0x7FFFFFFF  }
0xc5: {  	_ =	shalt  }
tec
execute0_lowered:
.L_overlay_start_1:
0x0: {  	(tag) =	ssettag $0x1  }
0x1: {  	s7 =	rddreg [dreg:$0x0]  }
0x2: {  	s3 =	rddreg [dreg:$0x1];
	s1 =	srdreg.scid  }
0x3: {  	s0 =	stileid.u32;
	s8 =	rddreg [dreg:$0x2]  }
0x4: {  	s2 =	simm.s32 $0x0;
	s12 =	simm.s32 $0x2;
	s13 =	simm.s32 $0x80  }
0x5: {  	s14 =	simm.s32 $0x100;
	s15 =	simm.s32 $0x180;
	s16 =	simm.s32 $0xE80  }
0x6: {  	s17 =	simm.s32 $0x3;
	s4 =	sand.u32 $0x1, s1;
	s5 =	sshll.u32 s0, $0x1  }
0x7: {  	s18 =	simm.s32 $0x2680;
	s19 =	simm.s32 $0x4;
	s10 =	sor.u32 s4, s5  }
0x8: {  	s20 =	simm.s32 $0x0;
	s1 =	rddreg [dreg:$0x3];
	s5 =	smul.u32 $0x3200, s10  }
0x9: {  	[smem:$0x7FF] =	sst s2;
	s3 =	sadd.s32 $0x400, s3;
	s9 =	smul.u32 $0x190, s10  }
.Ltmp0:
0xa: {  	_ =	strace $0x80000047;
	s6 =	ssub.s32 $0x2, s4;
	(pc) =	sbr.rel .LBB2_1-.Ltmp0, $4  }
0xb: {  	s31 =	sshrl.u32 s6, $0x1;
	p0 =	seq.s32 s10, $0x1F;
	s10 =	simm.s32 $0x200  }
0xc: {  	s11 =	ssub.s32 s6, s31;
	s30 =	sshrl.u32 s5, $0x3;
	s5 =	sadd.s32 s7, s9  }
0xd: {  	s7 =	sadd.s32 $0x3070, s7;
	s9 =	smax.u32 s11, $0x1;
	s4 =	sadd.s32 s8, s30  }
0xe: {  	s11 =	simm.s32 $0x1;
	s8 =	sadd.s32 $0xC1C0, s8;
	s6 =	sadd.s32 $0x300, s4  }
.LBB2_6:
0xf: {  	[tilespmem:s21+$0xFFFFFFB0] =	vst v0  }
0x10: {  	[tilespmem:s21+$0xFFFFFFC0] =	vst v1  }
0x11: {  	[tilespmem:s21+$0xFFFFFFD0] =	vst v3  }
0x12: {  	[tilespmem:s21+$0xFFFFFF90] =	vst v2  }
0x13: {  	[tilespmem:s21+$0xFFFFFFE0] =	vst v4  }
0x14: {  	[tilespmem:s21+$0xFFFFFFF0] =	vst v5  }
0x15: {  	[hbm4b:s6+s2] =	stream.linear.scatter [tilespmem:s18], [sflag:$0x4], $0x1A00, $0x38;
	[tilespmem:$0x4080] =	vst v63  }
0x16: {  	_ =	swait.ge [sflag:s17], $0x1800  }
0x17: {  	[sflag:s17] =	ssyncset.done $0x0  }
0x18: {  	[sflag:s17] =	ssyncadd.s32 $0xFFFFE800  }
0x19: {  	_ =	swait.ge [sflag:s19], $0x1A00  }
0x1a: {  	[sflag:s19] =	ssyncset.done $0x0  }
0x1b: {  	[sflag:s19] =	ssyncadd.s32 $0xFFFFE600  }
.LBB2_12:
0x1c: {  	s20 =	sadd.s32 $0x1, s20  }
0x1d: {  	p1 =	sne.s32 s20, s9  }
.Ltmp1:
0x1e: {  	_ = 	snop;
	(pc) =	sbr.rel @!p1 .LBB2_13-.Ltmp1, $1  }
0x1f: {  	_ =	sdelay $0x3  }
.LBB2_1:
.Ltmp2:
0x20: {  	(pc) =	sbr.rel @!p0 .LBB2_2-.Ltmp2, $1  }
0x21: {  	_ =	sdelay $0x3  }
0x22: {  	[tilespmem:s10], [sflag:$0x2] =	stream.linear.gather [hbm4b:s7+s2], $0x320, $0x38;
	[tilespmem:$0x4080] =	vst v63  }
0x23: {  	_ = 	snop  }
0x24: {  	[tilespmem:s2], [sflag:$0x1] =	stream.linear.gather [hbm4b:s3+s2], $0x200, $0x38;
	[tilespmem:$0x4080] =	vst v63  }
0x25: {  	_ =	swait.ge [sflag:s11], $0x200  }
0x26: {  	[sflag:s11] =	ssyncset.done $0x0  }
0x27: {  	[sflag:s11] =	ssyncadd.s32 $0xFFFFFE00  }
0x28: {  	_ =	swait.ge [sflag:s12], $0x320  }
0x29: {  	[sflag:s12] =	ssyncset.done $0x0  }
0x2a: {  	s21 =	simm.s32 $0x240;
	[sflag:s12] =	ssyncadd.s32 $0xFFFFFCE0  }
0x2b: {  	v0 =	vld [tilespmem:s21+$0x30]  }
0x2c: {  	v1 =	vld [tilespmem:s21+$0xFFFFFFD0]  }
0x2d: {  	v2 =	vld [tilespmem:s21+$0xFFFFFFE0]  }
0x2e: {  	v3 =	vld [tilespmem:s21+$0xFFFFFFF0]  }
0x2f: {  	v4 =	vld [tilespmem:s21+$0x0]  }
0x30: {  	v5 =	vld [tilespmem:s21+$0x10]  }
0x31: {  	v6 =	vld [tilespmem:s21+$0x20]  }
0x32: {  	v7 =	vld [tilespmem:s21+$0xFFFFFFC0];
	s21 =	simm.s32 $0x0  }
0x33: {  	v8 =	vld.idx.msk [tilespmem:v0+s21+$0x0], $0xffff  }
0x34: {  	v9 =	vld.idx.msk [tilespmem:v1+s21+$0x0], $0xffff  }
0x35: {  	v10 =	vld.idx.msk [tilespmem:v2+s21+$0x0], $0xffff  }
0x36: {  	v11 =	vld.idx.msk [tilespmem:v3+s21+$0x0], $0xffff  }
0x37: {  	v12 =	vld.idx.msk [tilespmem:v4+s21+$0x0], $0xffff  }
0x38: {  	s22 =	simm.s32 $0xF80;
	v13 =	vld.idx.msk [tilespmem:v5+s21+$0x0], $0xffff  }
0x39: {  	v14 =	vld.idx.msk [tilespmem:v6+s21+$0x0], $0xffff;
	[tilespmem:s22+$0xFFFFFF70] =	vst v8  }
0x3a: {  	v50 =	vld.idx.msk [tilespmem:v7+s21+$0x0], $0xffff;
	[tilespmem:s22+$0xFFFFFF10] =	vst v9  }
0x3b: {  	[tilespmem:s22+$0xFFFFFF20] =	vst v10;
	v8 =	vld.idx.msk [tilespmem:v0+s13+$0x0], $0xffff  }
0x3c: {  	[tilespmem:s22+$0xFFFFFF30] =	vst v11;
	v51 =	vld.idx.msk [tilespmem:v1+s13+$0x0], $0xffff  }
0x3d: {  	[tilespmem:s22+$0xFFFFFF40] =	vst v12;
	v52 =	vld.idx.msk [tilespmem:v2+s13+$0x0], $0xffff  }
0x3e: {  	[tilespmem:s22+$0xFFFFFF50] =	vst v13;
	v53 =	vld.idx.msk [tilespmem:v3+s13+$0x0], $0xffff  }
0x3f: {  	[tilespmem:s22+$0xFFFFFF60] =	vst v14;
	v54 =	vld.idx.msk [tilespmem:v4+s13+$0x0], $0xffff  }
0x40: {  	[tilespmem:s22+$0xFFFFFF00] =	vst v50;
	v55 =	vld.idx.msk [tilespmem:v5+s13+$0x0], $0xffff  }
0x41: {  	v9 =	vld.idx.msk [tilespmem:v7+s13+$0x0], $0xffff;
	[tilespmem:s22+$0xFFFFFFF0] =	vst v8  }
0x42: {  	v56 =	vld.idx.msk [tilespmem:v6+s13+$0x0], $0xffff;
	[tilespmem:s22+$0xFFFFFF90] =	vst v51  }
0x43: {  	[tilespmem:s22+$0xFFFFFFA0] =	vst v52;
	v8 =	vld.idx.msk [tilespmem:v0+s14+$0x0], $0xffff  }
0x44: {  	[tilespmem:s22+$0xFFFFFFB0] =	vst v53;
	v57 =	vld.idx.msk [tilespmem:v1+s14+$0x0], $0xffff  }
0x45: {  	[tilespmem:s22+$0xFFFFFFC0] =	vst v54;
	v58 =	vld.idx.msk [tilespmem:v2+s14+$0x0], $0xffff  }
0x46: {  	[tilespmem:s22+$0xFFFFFFD0] =	vst v55;
	v59 =	vld.idx.msk [tilespmem:v3+s14+$0x0], $0xffff  }
0x47: {  	[tilespmem:s22+$0xFFFFFF80] =	vst v9;
	v60 =	vld.idx.msk [tilespmem:v4+s14+$0x0], $0xffff  }
0x48: {  	[tilespmem:s22+$0xFFFFFFE0] =	vst v56;
	v9 =	vld.idx.msk [tilespmem:v7+s14+$0x0], $0xffff  }
0x49: {  	v61 =	vld.idx.msk [tilespmem:v5+s14+$0x0], $0xffff;
	[tilespmem:s22+$0x70] =	vst v8  }
0x4a: {  	v62 =	vld.idx.msk [tilespmem:v6+s14+$0x0], $0xffff;
	[tilespmem:s22+$0x10] =	vst v57  }
0x4b: {  	[tilespmem:s22+$0x20] =	vst v58;
	v8 =	vld.idx.msk [tilespmem:v0+s15+$0x0], $0xffff  }
0x4c: {  	[tilespmem:s22+$0x30] =	vst v59;
	v63 =	vld.idx.msk [tilespmem:v1+s15+$0x0], $0xffff  }
0x4d: {  	[tilespmem:s22+$0x40] =	vst v60;
	v0 =	vld.idx.msk [tilespmem:v2+s15+$0x0], $0xffff  }
0x4e: {  	[tilespmem:s22+$0x0] =	vst v9;
	v1 =	vld.idx.msk [tilespmem:v3+s15+$0x0], $0xffff  }
0x4f: {  	[tilespmem:s22+$0x50] =	vst v61;
	v3 =	vld.idx.msk [tilespmem:v4+s15+$0x0], $0xffff  }
0x50: {  	[tilespmem:s22+$0x60] =	vst v62;
	v2 =	vld.idx.msk [tilespmem:v7+s15+$0x0], $0xffff  }
0x51: {  	v4 =	vld.idx.msk [tilespmem:v5+s15+$0x0], $0xffff;
	[tilespmem:s22+$0xF0] =	vst v8  }
0x52: {  	s23 =	simm.s32 $0x0;
	s24 =	simm.s32 $0x2C0;
	v5 =	vld.idx.msk [tilespmem:v6+s15+$0x0], $0xffff;
	[tilespmem:s22+$0x90] =	vst v63  }
.LBB2_8:
0x53: {  	v6 =	vld [tilespmem:s24+$0x30];
	s23 =	sadd.s32 $0x8, s23;
	[tilespmem:s22+$0xA0] =	vst v0  }
0x54: {  	v0 =	vld [tilespmem:s24+$0xFFFFFFD0];
	p1 =	slt.u32 s23, $0x28;
	[tilespmem:s22+$0xB0] =	vst v1  }
0x55: {  	v1 =	vld [tilespmem:s24+$0xFFFFFFE0];
	[tilespmem:s22+$0xC0] =	vst v3  }
0x56: {  	v3 =	vld [tilespmem:s24+$0xFFFFFFF0];
	[tilespmem:s22+$0x80] =	vst v2  }
0x57: {  	v2 =	vld [tilespmem:s24+$0x0];
	[tilespmem:s22+$0xD0] =	vst v4  }
0x58: {  	v4 =	vld [tilespmem:s24+$0x10];
	[tilespmem:s22+$0xE0] =	vst v5  }
0x59: {  	v5 =	vld [tilespmem:s24+$0x20]  }
0x5a: {  	v7 =	vld [tilespmem:s24+$0xFFFFFFC0]  }
0x5b: {  	v8 =	vld.idx.msk [tilespmem:v6+s21+$0x0], $0xffff  }
0x5c: {  	v9 =	vld.idx.msk [tilespmem:v0+s21+$0x0], $0xffff  }
0x5d: {  	v10 =	vld.idx.msk [tilespmem:v1+s21+$0x0], $0xffff  }
0x5e: {  	v11 =	vld.idx.msk [tilespmem:v3+s21+$0x0], $0xffff  }
0x5f: {  	v12 =	vld.idx.msk [tilespmem:v2+s21+$0x0], $0xffff  }
0x60: {  	s22 =	sadd.s32 $0x200, s22;
	v13 =	vld.idx.msk [tilespmem:v4+s21+$0x0], $0xffff  }
0x61: {  	v14 =	vld.idx.msk [tilespmem:v5+s21+$0x0], $0xffff;
	[tilespmem:s22+$0xFFFFFF70] =	vst v8  }
0x62: {  	[tilespmem:s22+$0xFFFFFF10] =	vst v9;
	v8 =	vld.idx.msk [tilespmem:v6+s13+$0x0], $0xffff  }
0x63: {  	v9 =	vld.idx.msk [tilespmem:v7+s21+$0x0], $0xffff;
	[tilespmem:s22+$0xFFFFFF20] =	vst v10  }
0x64: {  	v10 =	vld.idx.msk [tilespmem:v0+s13+$0x0], $0xffff;
	[tilespmem:s22+$0xFFFFFF30] =	vst v11  }
0x65: {  	v11 =	vld.idx.msk [tilespmem:v1+s13+$0x0], $0xffff;
	[tilespmem:s22+$0xFFFFFF40] =	vst v12  }
0x66: {  	v12 =	vld.idx.msk [tilespmem:v3+s13+$0x0], $0xffff;
	[tilespmem:s22+$0xFFFFFF50] =	vst v13  }
0x67: {  	v13 =	vld.idx.msk [tilespmem:v2+s13+$0x0], $0xffff;
	[tilespmem:s22+$0xFFFFFF60] =	vst v14  }
0x68: {  	v14 =	vld.idx.msk [tilespmem:v4+s13+$0x0], $0xffff;
	[tilespmem:s22+$0xFFFFFFF0] =	vst v8  }
0x69: {  	[tilespmem:s22+$0xFFFFFF00] =	vst v9;
	v8 =	vld.idx.msk [tilespmem:v6+s14+$0x0], $0xffff  }
0x6a: {  	v9 =	vld.idx.msk [tilespmem:v7+s13+$0x0], $0xffff;
	[tilespmem:s22+$0xFFFFFF90] =	vst v10  }
0x6b: {  	[tilespmem:s22+$0xFFFFFFA0] =	vst v11;
	v10 =	vld.idx.msk [tilespmem:v5+s13+$0x0], $0xffff  }
0x6c: {  	v11 =	vld.idx.msk [tilespmem:v0+s14+$0x0], $0xffff;
	[tilespmem:s22+$0xFFFFFFB0] =	vst v12  }
0x6d: {  	v12 =	vld.idx.msk [tilespmem:v1+s14+$0x0], $0xffff;
	[tilespmem:s22+$0xFFFFFFC0] =	vst v13  }
0x6e: {  	v13 =	vld.idx.msk [tilespmem:v3+s14+$0x0], $0xffff;
	[tilespmem:s22+$0xFFFFFFD0] =	vst v14  }
0x6f: {  	v14 =	vld.idx.msk [tilespmem:v2+s14+$0x0], $0xffff;
	[tilespmem:s22+$0x70] =	vst v8  }
0x70: {  	[tilespmem:s22+$0xFFFFFF80] =	vst v9;
	v6 =	vld.idx.msk [tilespmem:v6+s15+$0x0], $0xffff  }
0x71: {  	v8 =	vld.idx.msk [tilespmem:v7+s14+$0x0], $0xffff;
	[tilespmem:s22+$0xFFFFFFE0] =	vst v10  }
0x72: {  	[tilespmem:s22+$0x10] =	vst v11;
	v9 =	vld.idx.msk [tilespmem:v4+s14+$0x0], $0xffff  }
0x73: {  	[tilespmem:s22+$0x20] =	vst v12;
	v10 =	vld.idx.msk [tilespmem:v5+s14+$0x0], $0xffff  }
0x74: {  	v11 =	vld.idx.msk [tilespmem:v0+s15+$0x0], $0xffff;
	[tilespmem:s22+$0x30] =	vst v13  }
0x75: {  	v0 =	vld.idx.msk [tilespmem:v1+s15+$0x0], $0xffff;
	[tilespmem:s22+$0x40] =	vst v14  }
.Ltmp3:
0x76: {  	v1 =	vld.idx.msk [tilespmem:v3+s15+$0x0], $0xffff;
	[tilespmem:s22+$0xF0] =	vst v6;
	(pc) =	sbr.rel @p1 .LBB2_8-.Ltmp3, $4  }
0x77: {  	[tilespmem:s22+$0x0] =	vst v8;
	v3 =	vld.idx.msk [tilespmem:v2+s15+$0x0], $0xffff  }
0x78: {  	v2 =	vld.idx.msk [tilespmem:v7+s15+$0x0], $0xffff;
	[tilespmem:s22+$0x50] =	vst v9  }
0x79: {  	v4 =	vld.idx.msk [tilespmem:v4+s15+$0x0], $0xffff;
	[tilespmem:s22+$0x60] =	vst v10  }
0x7a: {  	s24 =	sadd.s32 $0x80, s24;
	[tilespmem:s22+$0x90] =	vst v11;
	v5 =	vld.idx.msk [tilespmem:v5+s15+$0x0], $0xffff  }
0x7b: {  	[tilespmem:s22+$0xA0] =	vst v0  }
0x7c: {  	[tilespmem:s22+$0xB0] =	vst v1  }
0x7d: {  	[tilespmem:s22+$0xC0] =	vst v3  }
0x7e: {  	[tilespmem:s22+$0x80] =	vst v2  }
0x7f: {  	[tilespmem:s22+$0xD0] =	vst v4  }
0x80: {  	[tilespmem:s22+$0xE0] =	vst v5  }
.LBB2_10:
0x81: {  	s22 =	sshra.s32 s21, $0x2  }
0x82: {  	v0 =	vld [tilespmem:s22+$0x500];
	_ =	sdelay $0x7  }
0x83: {  	v1 =	vld.idx.msk [tilespmem:v0+s2+$0x0], $0xffff;
	_ =	sdelay $0x4  }
0x84: {  	[tilespmem:s22+$0x1A80] =	vst v1  }
0x85: {  	v1 =	vld.idx.msk [tilespmem:v0+s13+$0x0], $0xffff;
	_ =	sdelay $0x4  }
0x86: {  	[tilespmem:s22+$0x1B00] =	vst v1  }
0x87: {  	v1 =	vld.idx.msk [tilespmem:v0+s14+$0x0], $0xffff;
	_ =	sdelay $0x4  }
0x88: {  	[tilespmem:s22+$0x1B80] =	vst v1  }
0x89: {  	p1 =	sne.s32 s21, $0x40;
	v0 =	vld.idx.msk [tilespmem:v0+s15+$0x0], $0xffff  }
.Ltmp4:
0x8a: {  	_ = 	snop;
	(pc) =	sbr.rel @p1 .LBB2_10-.Ltmp4, $2  }
0x8b: {  	_ =	sdelay $0x2  }
0x8c: {  	s21 =	sadd.s32 $0x40, s21;
	[tilespmem:s22+$0x1C00] =	vst v0  }
.Ltmp5:
0x8d: {  	(pc) =	sbr.rel .LBB2_12-.Ltmp5, $4  }
0x8e: {  	[hbm4b:s8+s2] =	stream.linear.scatter [tilespmem:s16], [sflag:$0x3], $0xE00, $0x38;
	[tilespmem:$0x4080] =	vst v63  }
0x8f: {  	_ =	swait.ge [sflag:s17], $0xE00  }
0x90: {  	[sflag:s17] =	ssyncset.done $0x0  }
0x91: {  	[sflag:s17] =	ssyncadd.s32 $0xFFFFF200  }
.LBB2_2:
0x92: {  	[tilespmem:s10], [sflag:$0x2] =	stream.linear.gather [hbm4b:s5+s2], $0xC80, $0x38;
	[tilespmem:$0x4080] =	vst v63  }
0x93: {  	_ = 	snop  }
0x94: {  	[tilespmem:s2], [sflag:$0x1] =	stream.linear.gather [hbm4b:s3+s2], $0x200, $0x38;
	[tilespmem:$0x4080] =	vst v63  }
0x95: {  	_ =	swait.ge [sflag:s11], $0x200  }
0x96: {  	[sflag:s11] =	ssyncset.done $0x0  }
0x97: {  	[sflag:s11] =	ssyncadd.s32 $0xFFFFFE00  }
0x98: {  	_ =	swait.ge [sflag:s12], $0xC80  }
0x99: {  	[sflag:s12] =	ssyncset.done $0x0  }
0x9a: {  	s21 =	simm.s32 $0x240;
	[sflag:s12] =	ssyncadd.s32 $0xFFFFF380  }
0x9b: {  	v0 =	vld [tilespmem:s21+$0x30]  }
0x9c: {  	v1 =	vld [tilespmem:s21+$0xFFFFFFD0]  }
0x9d: {  	v2 =	vld [tilespmem:s21+$0xFFFFFFE0]  }
0x9e: {  	v3 =	vld [tilespmem:s21+$0xFFFFFFF0]  }
0x9f: {  	v4 =	vld [tilespmem:s21+$0x0]  }
0xa0: {  	v5 =	vld [tilespmem:s21+$0x10]  }
0xa1: {  	v6 =	vld [tilespmem:s21+$0x20]  }
0xa2: {  	v7 =	vld [tilespmem:s21+$0xFFFFFFC0]  }
0xa3: {  	v8 =	vld.idx.msk [tilespmem:v0+s2+$0x0], $0xffff  }
0xa4: {  	v9 =	vld.idx.msk [tilespmem:v1+s2+$0x0], $0xffff  }
0xa5: {  	v10 =	vld.idx.msk [tilespmem:v2+s2+$0x0], $0xffff  }
0xa6: {  	v11 =	vld.idx.msk [tilespmem:v3+s2+$0x0], $0xffff  }
0xa7: {  	v12 =	vld.idx.msk [tilespmem:v4+s2+$0x0], $0xffff  }
0xa8: {  	s21 =	simm.s32 $0xF80;
	v13 =	vld.idx.msk [tilespmem:v5+s2+$0x0], $0xffff  }
0xa9: {  	v14 =	vld.idx.msk [tilespmem:v6+s2+$0x0], $0xffff;
	[tilespmem:s21+$0xFFFFFF70] =	vst v8  }
0xaa: {  	v50 =	vld.idx.msk [tilespmem:v7+s2+$0x0], $0xffff;
	[tilespmem:s21+$0xFFFFFF10] =	vst v9  }
0xab: {  	[tilespmem:s21+$0xFFFFFF20] =	vst v10;
	v8 =	vld.idx.msk [tilespmem:v0+s13+$0x0], $0xffff  }
0xac: {  	[tilespmem:s21+$0xFFFFFF30] =	vst v11;
	v51 =	vld.idx.msk [tilespmem:v1+s13+$0x0], $0xffff  }
0xad: {  	[tilespmem:s21+$0xFFFFFF40] =	vst v12;
	v52 =	vld.idx.msk [tilespmem:v2+s13+$0x0], $0xffff  }
0xae: {  	[tilespmem:s21+$0xFFFFFF50] =	vst v13;
	v53 =	vld.idx.msk [tilespmem:v3+s13+$0x0], $0xffff  }
0xaf: {  	[tilespmem:s21+$0xFFFFFF60] =	vst v14;
	v54 =	vld.idx.msk [tilespmem:v4+s13+$0x0], $0xffff  }
0xb0: {  	[tilespmem:s21+$0xFFFFFF00] =	vst v50;
	v55 =	vld.idx.msk [tilespmem:v5+s13+$0x0], $0xffff  }
0xb1: {  	v9 =	vld.idx.msk [tilespmem:v7+s13+$0x0], $0xffff;
	[tilespmem:s21+$0xFFFFFFF0] =	vst v8  }
0xb2: {  	v56 =	vld.idx.msk [tilespmem:v6+s13+$0x0], $0xffff;
	[tilespmem:s21+$0xFFFFFF90] =	vst v51  }
0xb3: {  	[tilespmem:s21+$0xFFFFFFA0] =	vst v52;
	v8 =	vld.idx.msk [tilespmem:v0+s14+$0x0], $0xffff  }
0xb4: {  	[tilespmem:s21+$0xFFFFFFB0] =	vst v53;
	v57 =	vld.idx.msk [tilespmem:v1+s14+$0x0], $0xffff  }
0xb5: {  	[tilespmem:s21+$0xFFFFFFC0] =	vst v54;
	v58 =	vld.idx.msk [tilespmem:v2+s14+$0x0], $0xffff  }
0xb6: {  	[tilespmem:s21+$0xFFFFFFD0] =	vst v55;
	v59 =	vld.idx.msk [tilespmem:v3+s14+$0x0], $0xffff  }
0xb7: {  	[tilespmem:s21+$0xFFFFFF80] =	vst v9;
	v60 =	vld.idx.msk [tilespmem:v4+s14+$0x0], $0xffff  }
0xb8: {  	[tilespmem:s21+$0xFFFFFFE0] =	vst v56;
	v9 =	vld.idx.msk [tilespmem:v7+s14+$0x0], $0xffff  }
0xb9: {  	v61 =	vld.idx.msk [tilespmem:v5+s14+$0x0], $0xffff;
	[tilespmem:s21+$0x70] =	vst v8  }
0xba: {  	v62 =	vld.idx.msk [tilespmem:v6+s14+$0x0], $0xffff;
	[tilespmem:s21+$0x10] =	vst v57  }
0xbb: {  	[tilespmem:s21+$0x20] =	vst v58;
	v8 =	vld.idx.msk [tilespmem:v0+s15+$0x0], $0xffff  }
0xbc: {  	[tilespmem:s21+$0x30] =	vst v59;
	v63 =	vld.idx.msk [tilespmem:v1+s15+$0x0], $0xffff  }
0xbd: {  	[tilespmem:s21+$0x40] =	vst v60;
	v0 =	vld.idx.msk [tilespmem:v2+s15+$0x0], $0xffff  }
0xbe: {  	[tilespmem:s21+$0x0] =	vst v9;
	v1 =	vld.idx.msk [tilespmem:v3+s15+$0x0], $0xffff  }
0xbf: {  	[tilespmem:s21+$0x50] =	vst v61;
	v3 =	vld.idx.msk [tilespmem:v4+s15+$0x0], $0xffff  }
0xc0: {  	[tilespmem:s21+$0x60] =	vst v62;
	v2 =	vld.idx.msk [tilespmem:v7+s15+$0x0], $0xffff  }
0xc1: {  	v4 =	vld.idx.msk [tilespmem:v5+s15+$0x0], $0xffff;
	[tilespmem:s21+$0xF0] =	vst v8  }
0xc2: {  	s22 =	simm.s32 $0x0;
	s23 =	simm.s32 $0x2C0;
	v5 =	vld.idx.msk [tilespmem:v6+s15+$0x0], $0xffff;
	[tilespmem:s21+$0x90] =	vst v63  }
.LBB2_3:
0xc3: {  	v6 =	vld [tilespmem:s23+$0x30];
	s22 =	sadd.s32 $0x8, s22;
	[tilespmem:s21+$0xA0] =	vst v0  }
0xc4: {  	v0 =	vld [tilespmem:s23+$0xFFFFFFD0];
	p1 =	slt.u32 s22, $0x58;
	[tilespmem:s21+$0xB0] =	vst v1  }
0xc5: {  	v1 =	vld [tilespmem:s23+$0xFFFFFFE0];
	[tilespmem:s21+$0xC0] =	vst v3  }
0xc6: {  	v3 =	vld [tilespmem:s23+$0xFFFFFFF0];
	[tilespmem:s21+$0x80] =	vst v2  }
0xc7: {  	v2 =	vld [tilespmem:s23+$0x0];
	[tilespmem:s21+$0xD0] =	vst v4  }
0xc8: {  	v4 =	vld [tilespmem:s23+$0x10];
	[tilespmem:s21+$0xE0] =	vst v5  }
0xc9: {  	v5 =	vld [tilespmem:s23+$0x20]  }
0xca: {  	v7 =	vld [tilespmem:s23+$0xFFFFFFC0]  }
0xcb: {  	v8 =	vld.idx.msk [tilespmem:v6+s2+$0x0], $0xffff  }
0xcc: {  	v9 =	vld.idx.msk [tilespmem:v0+s2+$0x0], $0xffff  }
0xcd: {  	v10 =	vld.idx.msk [tilespmem:v1+s2+$0x0], $0xffff  }
0xce: {  	v11 =	vld.idx.msk [tilespmem:v3+s2+$0x0], $0xffff  }
0xcf: {  	v12 =	vld.idx.msk [tilespmem:v2+s2+$0x0], $0xffff  }
0xd0: {  	s21 =	sadd.s32 $0x200, s21;
	v13 =	vld.idx.msk [tilespmem:v4+s2+$0x0], $0xffff  }
0xd1: {  	v14 =	vld.idx.msk [tilespmem:v5+s2+$0x0], $0xffff;
	[tilespmem:s21+$0xFFFFFF70] =	vst v8  }
0xd2: {  	[tilespmem:s21+$0xFFFFFF10] =	vst v9;
	v8 =	vld.idx.msk [tilespmem:v6+s13+$0x0], $0xffff  }
0xd3: {  	v9 =	vld.idx.msk [tilespmem:v7+s2+$0x0], $0xffff;
	[tilespmem:s21+$0xFFFFFF20] =	vst v10  }
0xd4: {  	v10 =	vld.idx.msk [tilespmem:v0+s13+$0x0], $0xffff;
	[tilespmem:s21+$0xFFFFFF30] =	vst v11  }
0xd5: {  	v11 =	vld.idx.msk [tilespmem:v1+s13+$0x0], $0xffff;
	[tilespmem:s21+$0xFFFFFF40] =	vst v12  }
0xd6: {  	v12 =	vld.idx.msk [tilespmem:v3+s13+$0x0], $0xffff;
	[tilespmem:s21+$0xFFFFFF50] =	vst v13  }
0xd7: {  	v13 =	vld.idx.msk [tilespmem:v2+s13+$0x0], $0xffff;
	[tilespmem:s21+$0xFFFFFF60] =	vst v14  }
0xd8: {  	v14 =	vld.idx.msk [tilespmem:v4+s13+$0x0], $0xffff;
	[tilespmem:s21+$0xFFFFFFF0] =	vst v8  }
0xd9: {  	[tilespmem:s21+$0xFFFFFF00] =	vst v9;
	v8 =	vld.idx.msk [tilespmem:v6+s14+$0x0], $0xffff  }
0xda: {  	v9 =	vld.idx.msk [tilespmem:v7+s13+$0x0], $0xffff;
	[tilespmem:s21+$0xFFFFFF90] =	vst v10  }
0xdb: {  	[tilespmem:s21+$0xFFFFFFA0] =	vst v11;
	v10 =	vld.idx.msk [tilespmem:v5+s13+$0x0], $0xffff  }
0xdc: {  	v11 =	vld.idx.msk [tilespmem:v0+s14+$0x0], $0xffff;
	[tilespmem:s21+$0xFFFFFFB0] =	vst v12  }
0xdd: {  	v12 =	vld.idx.msk [tilespmem:v1+s14+$0x0], $0xffff;
	[tilespmem:s21+$0xFFFFFFC0] =	vst v13  }
0xde: {  	v13 =	vld.idx.msk [tilespmem:v3+s14+$0x0], $0xffff;
	[tilespmem:s21+$0xFFFFFFD0] =	vst v14  }
0xdf: {  	v14 =	vld.idx.msk [tilespmem:v2+s14+$0x0], $0xffff;
	[tilespmem:s21+$0x70] =	vst v8  }
0xe0: {  	[tilespmem:s21+$0xFFFFFF80] =	vst v9;
	v6 =	vld.idx.msk [tilespmem:v6+s15+$0x0], $0xffff  }
0xe1: {  	v8 =	vld.idx.msk [tilespmem:v7+s14+$0x0], $0xffff;
	[tilespmem:s21+$0xFFFFFFE0] =	vst v10  }
0xe2: {  	[tilespmem:s21+$0x10] =	vst v11;
	v9 =	vld.idx.msk [tilespmem:v4+s14+$0x0], $0xffff  }
0xe3: {  	[tilespmem:s21+$0x20] =	vst v12;
	v10 =	vld.idx.msk [tilespmem:v5+s14+$0x0], $0xffff  }
0xe4: {  	v11 =	vld.idx.msk [tilespmem:v0+s15+$0x0], $0xffff;
	[tilespmem:s21+$0x30] =	vst v13  }
0xe5: {  	v0 =	vld.idx.msk [tilespmem:v1+s15+$0x0], $0xffff;
	[tilespmem:s21+$0x40] =	vst v14  }
.Ltmp6:
0xe6: {  	v1 =	vld.idx.msk [tilespmem:v3+s15+$0x0], $0xffff;
	[tilespmem:s21+$0xF0] =	vst v6;
	(pc) =	sbr.rel @p1 .LBB2_3-.Ltmp6, $4  }
0xe7: {  	[tilespmem:s21+$0x0] =	vst v8;
	v3 =	vld.idx.msk [tilespmem:v2+s15+$0x0], $0xffff  }
0xe8: {  	v2 =	vld.idx.msk [tilespmem:v7+s15+$0x0], $0xffff;
	[tilespmem:s21+$0x50] =	vst v9  }
0xe9: {  	v4 =	vld.idx.msk [tilespmem:v4+s15+$0x0], $0xffff;
	[tilespmem:s21+$0x60] =	vst v10  }
0xea: {  	s23 =	sadd.s32 $0x80, s23;
	[tilespmem:s21+$0x90] =	vst v11;
	v5 =	vld.idx.msk [tilespmem:v5+s15+$0x0], $0xffff  }
0xeb: {  	[tilespmem:s21+$0xA0] =	vst v0  }
0xec: {  	[tilespmem:s21+$0xB0] =	vst v1  }
0xed: {  	[tilespmem:s21+$0xC0] =	vst v3  }
0xee: {  	[tilespmem:s21+$0x80] =	vst v2  }
0xef: {  	[tilespmem:s21+$0xD0] =	vst v4  }
0xf0: {  	s31 =	simm.s32 $0x870;
	[tilespmem:s21+$0xE0] =	vst v5  }
0xf1: {  	[hbm4b:s4+s2] =	stream.linear.scatter [tilespmem:s16], [sflag:$0x3], $0x1800, $0x38;
	[tilespmem:$0x4080] =	vst v63  }
0xf2: {  	v0 =	vld [tilespmem:s31+$0x0]  }
0xf3: {  	v1 =	vld [tilespmem:s31+$0xFFFFFFA0]  }
0xf4: {  	v2 =	vld [tilespmem:s31+$0xFFFFFFB0]  }
0xf5: {  	v3 =	vld [tilespmem:s31+$0xFFFFFFC0]  }
0xf6: {  	v4 =	vld [tilespmem:s31+$0xFFFFFFD0]  }
0xf7: {  	v5 =	vld [tilespmem:s31+$0xFFFFFFE0]  }
0xf8: {  	v6 =	vld [tilespmem:s31+$0xFFFFFFF0]  }
0xf9: {  	v7 =	vld [tilespmem:s31+$0xFFFFFF90]  }
0xfa: {  	v8 =	vld.idx.msk [tilespmem:v0+s2+$0x0], $0xffff  }
0xfb: {  	v9 =	vld.idx.msk [tilespmem:v1+s2+$0x0], $0xffff  }
0xfc: {  	v10 =	vld.idx.msk [tilespmem:v2+s2+$0x0], $0xffff  }
0xfd: {  	v11 =	vld.idx.msk [tilespmem:v3+s2+$0x0], $0xffff  }
0xfe: {  	v12 =	vld.idx.msk [tilespmem:v4+s2+$0x0], $0xffff  }
0xff: {  	s21 =	simm.s32 $0x2870;
	v13 =	vld.idx.msk [tilespmem:v5+s2+$0x0], $0xffff  }
0x100: {  	v14 =	vld.idx.msk [tilespmem:v6+s2+$0x0], $0xffff;
	[tilespmem:s21+$0xFFFFFE80] =	vst v8  }
0x101: {  	v50 =	vld.idx.msk [tilespmem:v7+s2+$0x0], $0xffff;
	[tilespmem:s21+$0xFFFFFE20] =	vst v9  }
0x102: {  	[tilespmem:s21+$0xFFFFFE30] =	vst v10;
	v8 =	vld.idx.msk [tilespmem:v0+s13+$0x0], $0xffff  }
0x103: {  	[tilespmem:s21+$0xFFFFFE40] =	vst v11;
	v51 =	vld.idx.msk [tilespmem:v1+s13+$0x0], $0xffff  }
0x104: {  	[tilespmem:s21+$0xFFFFFE50] =	vst v12;
	v52 =	vld.idx.msk [tilespmem:v2+s13+$0x0], $0xffff  }
0x105: {  	[tilespmem:s21+$0xFFFFFE60] =	vst v13;
	v53 =	vld.idx.msk [tilespmem:v3+s13+$0x0], $0xffff  }
0x106: {  	[tilespmem:s21+$0xFFFFFE70] =	vst v14;
	v54 =	vld.idx.msk [tilespmem:v4+s13+$0x0], $0xffff  }
0x107: {  	[tilespmem:s21+$0xFFFFFE10] =	vst v50;
	v55 =	vld.idx.msk [tilespmem:v5+s13+$0x0], $0xffff  }
0x108: {  	v9 =	vld.idx.msk [tilespmem:v7+s13+$0x0], $0xffff;
	[tilespmem:s21+$0xFFFFFF00] =	vst v8  }
0x109: {  	v56 =	vld.idx.msk [tilespmem:v6+s13+$0x0], $0xffff;
	[tilespmem:s21+$0xFFFFFEA0] =	vst v51  }
0x10a: {  	[tilespmem:s21+$0xFFFFFEB0] =	vst v52;
	v8 =	vld.idx.msk [tilespmem:v0+s14+$0x0], $0xffff  }
0x10b: {  	[tilespmem:s21+$0xFFFFFEC0] =	vst v53;
	v57 =	vld.idx.msk [tilespmem:v1+s14+$0x0], $0xffff  }
0x10c: {  	[tilespmem:s21+$0xFFFFFED0] =	vst v54;
	v58 =	vld.idx.msk [tilespmem:v2+s14+$0x0], $0xffff  }
0x10d: {  	[tilespmem:s21+$0xFFFFFEE0] =	vst v55;
	v59 =	vld.idx.msk [tilespmem:v3+s14+$0x0], $0xffff  }
0x10e: {  	[tilespmem:s21+$0xFFFFFE90] =	vst v9;
	v60 =	vld.idx.msk [tilespmem:v4+s14+$0x0], $0xffff  }
0x10f: {  	[tilespmem:s21+$0xFFFFFEF0] =	vst v56;
	v9 =	vld.idx.msk [tilespmem:v7+s14+$0x0], $0xffff  }
0x110: {  	v61 =	vld.idx.msk [tilespmem:v5+s14+$0x0], $0xffff;
	[tilespmem:s21+$0xFFFFFF80] =	vst v8  }
0x111: {  	v62 =	vld.idx.msk [tilespmem:v6+s14+$0x0], $0xffff;
	[tilespmem:s21+$0xFFFFFF20] =	vst v57  }
0x112: {  	[tilespmem:s21+$0xFFFFFF30] =	vst v58;
	v8 =	vld.idx.msk [tilespmem:v0+s15+$0x0], $0xffff  }
0x113: {  	[tilespmem:s21+$0xFFFFFF40] =	vst v59;
	v63 =	vld.idx.msk [tilespmem:v1+s15+$0x0], $0xffff  }
0x114: {  	[tilespmem:s21+$0xFFFFFF50] =	vst v60;
	v0 =	vld.idx.msk [tilespmem:v2+s15+$0x0], $0xffff  }
0x115: {  	[tilespmem:s21+$0xFFFFFF10] =	vst v9;
	v1 =	vld.idx.msk [tilespmem:v3+s15+$0x0], $0xffff  }
0x116: {  	[tilespmem:s21+$0xFFFFFF60] =	vst v61;
	v3 =	vld.idx.msk [tilespmem:v4+s15+$0x0], $0xffff  }
0x117: {  	[tilespmem:s21+$0xFFFFFF70] =	vst v62;
	v2 =	vld.idx.msk [tilespmem:v7+s15+$0x0], $0xffff  }
0x118: {  	v4 =	vld.idx.msk [tilespmem:v5+s15+$0x0], $0xffff;
	[tilespmem:s21+$0x0] =	vst v8  }
0x119: {  	s22 =	simm.s32 $0x60;
	s23 =	simm.s32 $0x8F0;
	v5 =	vld.idx.msk [tilespmem:v6+s15+$0x0], $0xffff;
	[tilespmem:s21+$0xFFFFFFA0] =	vst v63  }
.LBB2_5:
0x11a: {  	v6 =	vld [tilespmem:s23+$0x0];
	s22 =	sadd.s32 $0x8, s22;
	[tilespmem:s21+$0xFFFFFFB0] =	vst v0  }
0x11b: {  	v0 =	vld [tilespmem:s23+$0xFFFFFFA0];
	p1 =	slt.u32 s22, $0xC0;
	[tilespmem:s21+$0xFFFFFFC0] =	vst v1  }
0x11c: {  	v1 =	vld [tilespmem:s23+$0xFFFFFFB0];
	[tilespmem:s21+$0xFFFFFFD0] =	vst v3  }
0x11d: {  	v3 =	vld [tilespmem:s23+$0xFFFFFFC0];
	[tilespmem:s21+$0xFFFFFF90] =	vst v2  }
0x11e: {  	v2 =	vld [tilespmem:s23+$0xFFFFFFD0];
	[tilespmem:s21+$0xFFFFFFE0] =	vst v4  }
0x11f: {  	v4 =	vld [tilespmem:s23+$0xFFFFFFE0];
	[tilespmem:s21+$0xFFFFFFF0] =	vst v5  }
0x120: {  	v5 =	vld [tilespmem:s23+$0xFFFFFFF0]  }
0x121: {  	v7 =	vld [tilespmem:s23+$0xFFFFFF90]  }
0x122: {  	v8 =	vld.idx.msk [tilespmem:v6+s2+$0x0], $0xffff  }
0x123: {  	v9 =	vld.idx.msk [tilespmem:v0+s2+$0x0], $0xffff  }
0x124: {  	v10 =	vld.idx.msk [tilespmem:v1+s2+$0x0], $0xffff  }
0x125: {  	v11 =	vld.idx.msk [tilespmem:v3+s2+$0x0], $0xffff  }
0x126: {  	v12 =	vld.idx.msk [tilespmem:v2+s2+$0x0], $0xffff  }
0x127: {  	s21 =	sadd.s32 $0x200, s21;
	v13 =	vld.idx.msk [tilespmem:v4+s2+$0x0], $0xffff  }
0x128: {  	v14 =	vld.idx.msk [tilespmem:v5+s2+$0x0], $0xffff;
	[tilespmem:s21+$0xFFFFFE80] =	vst v8  }
0x129: {  	[tilespmem:s21+$0xFFFFFE20] =	vst v9;
	v8 =	vld.idx.msk [tilespmem:v6+s13+$0x0], $0xffff  }
0x12a: {  	v9 =	vld.idx.msk [tilespmem:v7+s2+$0x0], $0xffff;
	[tilespmem:s21+$0xFFFFFE30] =	vst v10  }
0x12b: {  	v10 =	vld.idx.msk [tilespmem:v0+s13+$0x0], $0xffff;
	[tilespmem:s21+$0xFFFFFE40] =	vst v11  }
0x12c: {  	v11 =	vld.idx.msk [tilespmem:v1+s13+$0x0], $0xffff;
	[tilespmem:s21+$0xFFFFFE50] =	vst v12  }
0x12d: {  	v12 =	vld.idx.msk [tilespmem:v3+s13+$0x0], $0xffff;
	[tilespmem:s21+$0xFFFFFE60] =	vst v13  }
0x12e: {  	v13 =	vld.idx.msk [tilespmem:v2+s13+$0x0], $0xffff;
	[tilespmem:s21+$0xFFFFFE70] =	vst v14  }
0x12f: {  	v14 =	vld.idx.msk [tilespmem:v4+s13+$0x0], $0xffff;
	[tilespmem:s21+$0xFFFFFF00] =	vst v8  }
0x130: {  	[tilespmem:s21+$0xFFFFFE10] =	vst v9;
	v8 =	vld.idx.msk [tilespmem:v6+s14+$0x0], $0xffff  }
0x131: {  	v9 =	vld.idx.msk [tilespmem:v7+s13+$0x0], $0xffff;
	[tilespmem:s21+$0xFFFFFEA0] =	vst v10  }
0x132: {  	[tilespmem:s21+$0xFFFFFEB0] =	vst v11;
	v10 =	vld.idx.msk [tilespmem:v5+s13+$0x0], $0xffff  }
0x133: {  	v11 =	vld.idx.msk [tilespmem:v0+s14+$0x0], $0xffff;
	[tilespmem:s21+$0xFFFFFEC0] =	vst v12  }
0x134: {  	v12 =	vld.idx.msk [tilespmem:v1+s14+$0x0], $0xffff;
	[tilespmem:s21+$0xFFFFFED0] =	vst v13  }
0x135: {  	v13 =	vld.idx.msk [tilespmem:v3+s14+$0x0], $0xffff;
	[tilespmem:s21+$0xFFFFFEE0] =	vst v14  }
0x136: {  	v14 =	vld.idx.msk [tilespmem:v2+s14+$0x0], $0xffff;
	[tilespmem:s21+$0xFFFFFF80] =	vst v8  }
0x137: {  	[tilespmem:s21+$0xFFFFFE90] =	vst v9;
	v6 =	vld.idx.msk [tilespmem:v6+s15+$0x0], $0xffff  }
0x138: {  	v8 =	vld.idx.msk [tilespmem:v7+s14+$0x0], $0xffff;
	[tilespmem:s21+$0xFFFFFEF0] =	vst v10  }
0x139: {  	[tilespmem:s21+$0xFFFFFF20] =	vst v11;
	v9 =	vld.idx.msk [tilespmem:v4+s14+$0x0], $0xffff  }
0x13a: {  	[tilespmem:s21+$0xFFFFFF30] =	vst v12;
	v10 =	vld.idx.msk [tilespmem:v5+s14+$0x0], $0xffff  }
0x13b: {  	v11 =	vld.idx.msk [tilespmem:v0+s15+$0x0], $0xffff;
	[tilespmem:s21+$0xFFFFFF40] =	vst v13  }
0x13c: {  	v0 =	vld.idx.msk [tilespmem:v1+s15+$0x0], $0xffff;
	[tilespmem:s21+$0xFFFFFF50] =	vst v14  }
.Ltmp7:
0x13d: {  	v1 =	vld.idx.msk [tilespmem:v3+s15+$0x0], $0xffff;
	[tilespmem:s21+$0x0] =	vst v6;
	(pc) =	sbr.rel @p1 .LBB2_5-.Ltmp7, $4  }
0x13e: {  	[tilespmem:s21+$0xFFFFFF10] =	vst v8;
	v3 =	vld.idx.msk [tilespmem:v2+s15+$0x0], $0xffff  }
0x13f: {  	v2 =	vld.idx.msk [tilespmem:v7+s15+$0x0], $0xffff;
	[tilespmem:s21+$0xFFFFFF60] =	vst v9  }
0x140: {  	v4 =	vld.idx.msk [tilespmem:v4+s15+$0x0], $0xffff;
	[tilespmem:s21+$0xFFFFFF70] =	vst v10  }
0x141: {  	s23 =	sadd.s32 $0x80, s23;
	[tilespmem:s21+$0xFFFFFFA0] =	vst v11;
	v5 =	vld.idx.msk [tilespmem:v5+s15+$0x0], $0xffff  }
.Ltmp8:
0x142: {  	_ = 	snop;
	(pc) =	sbr.rel .LBB2_6-.Ltmp8, $1  }
0x143: {  	_ =	sdelay $0x3  }
.LBB2_13:
0x144: {  	_ =	sfence.sel $0x180000  }
0x145: {  	[bflag:$0x0] =	sbarrier.arrive $0xFFFF  }
0x146: {  	p0 =	sne.s32 s0, $0x0;
	_ =	strace $0x90000047  }
0x147: {  	s0 =	sadd.s32 @!p0 $0x100000, s1;
	[bflag:$0x2] =	sbarrier.arrive $0xFFFF  }
0x148: {  	[sflag:s0] =	ssyncadd.tile.s32 @!p0 $0x1;
	_ =	shalt  }
.Lfunc_end2:
_tile_overlayer_lowered:
.L_overlay_start_2:
0x149: {  	(tag) =	ssettag $0x2  }
0x14a: {  	s0 =	rddreg [dreg:$0x0];
	s2 =	stileid.u32  }
0x14b: {  	s1 =	rddreg [dreg:$0x1];
	p0 =	sne.s32 s2, $0x0  }
0x14c: {  	s3 =	rddreg [dreg:$0x2];
	[bflag:$0x3] =	sbarrier.arrive $0xFFFF;
	s2 =	simm.s32 @!p0 $0x1C05  }
0x14d: {  	[timem:s3], [sflag:s2] =	dma.local @!p0 [hbm:s0], s1  }
0x14e: {  	s0 =	simm.s32 @!p0 $0x5  }
0x14f: {  	_ =	swait.ge @!p0 [sflag:s0], s1  }
0x150: {  	s1 =	ssub.s32 @!p0 $0x0, s1;
	[sflag:s0] =	ssyncset.done @!p0 $0x0  }
0x151: {  	[sflag:s0] =	ssyncadd.s32 @!p0 s1  }
0x152: {  	[bflag:$0x3] =	sbarrier.arrive $0xFFFF  }
0x153: {  	_ =	shalt  }

</sc_bundles>
